<compile_context>
chip_gen: v7x
topology: tpu7x:2x2x1
jax: 0.10.2.dev20260603
libtpu: 0.0.44.dev20260713+nightly
codegen_flags: <defaults>
</compile_context>

<pallas_src>
import functools

import jax
import jax.numpy as jnp
from jax import lax
from jax.experimental import pallas as pl
from jax.experimental.pallas import tpu as pltpu
from jax.experimental.pallas import tpu_sc as plsc

_N = 10000
_E = 320000
_D = 128
_H = 128
_C = 64

_NC = 2
_NS = 16
_K = 80
_U = 4
_NB = 63
_EPT = _K * _U * _NB
_EP = _EPT * _NS
_NP = 10240
_RPT = _NP // _NS


def _tc1_body(x_ref, w1_ref, b1_ref, feat_ref, hr_ref):
    h = jnp.dot(x_ref[...], w1_ref[...], preferred_element_type=jnp.float32)
    h = h + b1_ref[...]
    feat_ref[...] = h
    hr_ref[...] = jnp.maximum(h, 0.0)


def _stage1(x, W1, b1):
    blk = 1000
    return pl.pallas_call(
        _tc1_body,
        grid=(_N // blk,),
        in_specs=[
            pl.BlockSpec((blk, _D), lambda i: (i, 0)),
            pl.BlockSpec((_D, _H), lambda i: (0, 0)),
            pl.BlockSpec((1, _H), lambda i: (0, 0)),
        ],
        out_specs=[
            pl.BlockSpec((blk, _H), lambda i: (i, 0)),
            pl.BlockSpec((blk, _H), lambda i: (i, 0)),
        ],
        out_shape=[
            jax.ShapeDtypeStruct((_N, _H), jnp.float32),
            jax.ShapeDtypeStruct((_N, _H), jnp.float32),
        ],
    )(x, W1, b1.reshape(1, _H))


def _sc_body(hr_hbm, src_hbm, dst_hbm,
             parts_hbm, cnts_hbm,
             *refs):
    idxs = refs[0:_U]
    idxd = refs[_U:2 * _U]
    rows = refs[2 * _U:3 * _U]
    acc_s = refs[3 * _U]
    semi, semg, sems = refs[3 * _U + 1:3 * _U + 4]

    cid = lax.axis_index("c")
    tid = lax.axis_index("s")

    z16 = jnp.zeros((16,), jnp.float32)

    def zrow(i, _):
        for j in range(_H // 16):
            rows[0][i, pl.ds(j * 16, 16)] = z16
        return ()
    lax.fori_loop(0, _K, zrow, ())

    def zacc(j, _):
        pltpu.sync_copy(rows[0], acc_s.at[pl.ds(tid * _RPT + j * _K, _K)])
        return ()
    lax.fori_loop(0, _RPT // _K, zacc, ())

    @pl.when(cid == 1)
    def _fill_ones():
        one16 = jnp.ones((16,), jnp.float32)

        def wones(i, _):
            for j in range(_H // 16):
                rows[0][i, pl.ds(j * 16, 16)] = one16
            return ()
        lax.fori_loop(0, _K, wones, ())

    plsc.subcore_barrier()

    def body_rows(s, _):
        base0 = tid * _EPT + s * (_U * _K)
        di = []
        for u in range(_U):
            di.append(pltpu.async_copy(
                src_hbm.at[pl.ds(base0 + u * _K, _K)], idxs[u], semi))
            di.append(pltpu.async_copy(
                dst_hbm.at[pl.ds(base0 + u * _K, _K)], idxd[u], semi))
        for d in di:
            d.wait()
        dg = [pltpu.async_copy(hr_hbm.at[idxs[u]], rows[u], semg)
              for u in range(_U)]
        for d in dg:
            d.wait()
        ds = [pltpu.async_copy(rows[u], acc_s.at[idxd[u]], sems, add=True)
              for u in range(_U)]
        for d in ds:
            d.wait()
        return ()

    def body_cnts(s, _):
        base0 = tid * _EPT + s * (_U * _K)
        di = [pltpu.async_copy(
            dst_hbm.at[pl.ds(base0 + u * _K, _K)], idxd[u], semi)
            for u in range(_U)]
        for d in di:
            d.wait()
        ds = [pltpu.async_copy(rows[0], acc_s.at[idxd[u]], sems, add=True)
              for u in range(_U)]
        for d in ds:
            d.wait()
        return ()

    @pl.when(cid == 0)
    def _rows():
        lax.fori_loop(0, _NB, body_rows, ())

    @pl.when(cid == 1)
    def _cnts():
        lax.fori_loop(0, _NB, body_cnts, ())

    plsc.subcore_barrier()

    def wacc(j, _):
        pltpu.sync_copy(acc_s.at[pl.ds(tid * _RPT + j * _K, _K)], rows[0])

        @pl.when(cid == 0)
        def _wp():
            pltpu.sync_copy(rows[0],
                            parts_hbm.at[pl.ds(tid * _RPT + j * _K, _K)])

        @pl.when(cid == 1)
        def _wc():
            pltpu.sync_copy(rows[0],
                            cnts_hbm.at[pl.ds(tid * _RPT + j * _K, _K)])
        return ()
    lax.fori_loop(0, _RPT // _K, wacc, ())


def _stage2(hr, src, dst):
    mesh = plsc.VectorSubcoreMesh(core_axis_name="c", subcore_axis_name="s")
    k = functools.partial(
        pl.kernel,
        mesh=mesh,
        out_type=[
            jax.ShapeDtypeStruct((_NP, _H), jnp.float32),
            jax.ShapeDtypeStruct((_NP, _H), jnp.float32),
        ],
        scratch_types=(
            [pltpu.VMEM((_K,), jnp.int32) for _ in range(2 * _U)]
            + [pltpu.VMEM((_K, _H), jnp.float32) for _ in range(_U)]
            + [pltpu.VMEM_SHARED((_NP, _H), jnp.float32)]
            + [pltpu.SemaphoreType.DMA for _ in range(3)]
        ),
    )(_sc_body)
    return k(hr, src, dst)


def _tc2_body(agg_ref, cnt_ref, hr_ref,
              wl_ref, bl_ref, wr_ref, wn_ref, out_ref):
    cnt = jnp.maximum(cnt_ref[:, :1], 1.0)
    agg = agg_ref[...] / cnt
    hr = hr_ref[...]
    h2 = (jnp.dot(agg, wl_ref[...], preferred_element_type=jnp.float32)
          + bl_ref[...]
          + jnp.dot(hr, wr_ref[...], preferred_element_type=jnp.float32))
    nrm = jnp.sqrt(jnp.sum(h2 * h2, axis=1, keepdims=True))
    xn = h2 / jnp.maximum(nrm, 1e-12)
    wn = wn_ref[...]
    wnn = wn / jnp.maximum(jnp.sqrt(jnp.sum(wn * wn, axis=0, keepdims=True)),
                           1e-12)
    out_ref[...] = 10.0 * jnp.dot(xn, wnn, preferred_element_type=jnp.float32)


def _stage3(parts, cnts, hr, Wl, bl, Wr, Wn):
    blk = 1000
    return pl.pallas_call(
        _tc2_body,
        grid=(_N // blk,),
        in_specs=[
            pl.BlockSpec((blk, _H), lambda i: (i, 0)),
            pl.BlockSpec((blk, _H), lambda i: (i, 0)),
            pl.BlockSpec((blk, _H), lambda i: (i, 0)),
            pl.BlockSpec((_H, _H), lambda i: (0, 0)),
            pl.BlockSpec((1, _H), lambda i: (0, 0)),
            pl.BlockSpec((_H, _H), lambda i: (0, 0)),
            pl.BlockSpec((_H, _C), lambda i: (0, 0)),
        ],
        out_specs=pl.BlockSpec((blk, _C), lambda i: (i, 0)),
        out_shape=jax.ShapeDtypeStruct((_N, _C), jnp.float32),
    )(parts, cnts, hr, Wl, bl.reshape(1, _H), Wr, Wn)


@jax.jit
def kernel(x, edge_index, W1, b1, Wl, bl, Wr, Wn):
    feat, hr = _stage1(x, W1, b1)
    npad = _EP - _E
    pad_dst = _N + (jnp.arange(npad, dtype=jnp.int32) % (_NP - _N))
    src = jnp.concatenate([edge_index[0], jnp.zeros((npad,), jnp.int32)])
    dst = jnp.concatenate([edge_index[1], pad_dst])
    parts, cnts = _stage2(hr, src, dst)
    out = _stage3(parts, cnts, hr, Wl, bl, Wr, Wn)
    return (feat, out)

# --- scband reference (transcript-rebuilt; emitter-appended) ---
"""Pipeline reference for scband-encoder2-1176821039651 (READ-ONLY COPY).

The authoritative reference and input builder live on the scoring server;
editing this copy changes nothing except your own understanding.
"""

import jax, jax.numpy as jnp
import numpy as np

N = 10000
E = 320000
D = 128
H = 128
C = 64


def setup_inputs(seed: int = 0) -> dict:
    key = jax.random.key(seed)
    ks = jax.random.split(key, 8)
    x = jax.random.normal(ks[0], (N, D), dtype=jnp.float32)
    edge_index = jax.random.randint(ks[1], (2, E), 0, N, dtype=jnp.int32)
    # conv1: nn.Linear(x_dim, hid_dim)
    W1 = jax.random.normal(ks[2], (D, H), dtype=jnp.float32) * (1.0 / np.sqrt(D))
    b1 = jnp.zeros((H,), dtype=jnp.float32)
    # SAGEConv(hid, hid): lin_l (applied to mean-aggregated neighbors, with bias),
    # lin_r (applied to root node features, no bias)
    Wl = jax.random.normal(ks[3], (H, H), dtype=jnp.float32) * (1.0 / np.sqrt(H))
    bl = jnp.zeros((H,), dtype=jnp.float32)
    Wr = jax.random.normal(ks[4], (H, H), dtype=jnp.float32) * (1.0 / np.sqrt(H))
    # NormedLinear weight [hid_dim, num_cls]
    Wn = jax.random.uniform(ks[5], (H, C), dtype=jnp.float32, minval=-1.0, maxval=1.0)
    return {"x": x, "edge_index": edge_index, "W1": W1, "b1": b1,
            "Wl": Wl, "bl": bl, "Wr": Wr, "Wn": Wn}


def reference(x, edge_index, W1, b1, Wl, bl, Wr, Wn):
    # conv1
    h = x @ W1 + b1
    feat = h
    h = jax.nn.relu(h)
    # SAGEConv with mean aggregation: out = lin_l(mean_{j in N(i)} h_j) + lin_r(h_i)
    src = edge_index[0]
    dst = edge_index[1]
    msgs = jnp.take(h, src, axis=0)
    agg = jax.ops.segment_sum(msgs, dst, num_segments=N)
    cnt = jax.ops.segment_sum(jnp.ones((E,), dtype=jnp.float32), dst, num_segments=N)
    cnt = jnp.clip(cnt, 1.0)[:, None]
    agg = agg / cnt
    h2 = agg @ Wl + bl + h @ Wr
    # NormedLinear: 10 * normalize(x, dim=1) @ normalize(W, dim=0)
    xn = h2 / jnp.clip(jnp.linalg.norm(h2, axis=1, keepdims=True), 1e-12)
    wn = Wn / jnp.clip(jnp.linalg.norm(Wn, axis=0, keepdims=True), 1e-12)
    out = 10.0 * (xn @ wn)
    return (feat, out)

if __name__ == "__main__":
    import jax
    _d = setup_inputs()
    print(jax.jit(kernel)(*tuple(_d.values())))

</pallas_src>

<mosaic_0001>
#map = affine_map<(d0, d1) -> (0, 0)>
#map1 = affine_map<(d0, d1) -> (0)>
module attributes {stable_mosaic.version = 14 : i64} {
  func.func @_sc_body(%arg0: i32, %arg1: i32, %arg2: memref<10000x128xf32, #tpu.memory_space<hbm>>, %arg3: memref<322560xi32, #tpu.memory_space<hbm>>, %arg4: memref<322560xi32, #tpu.memory_space<hbm>>, %arg5: memref<10240x128xf32, #tpu.memory_space<hbm>>, %arg6: memref<10240x128xf32, #tpu.memory_space<hbm>>, %arg7: memref<80xi32, #tpu.memory_space<vmem>>, %arg8: memref<80xi32, #tpu.memory_space<vmem>>, %arg9: memref<80xi32, #tpu.memory_space<vmem>>, %arg10: memref<80xi32, #tpu.memory_space<vmem>>, %arg11: memref<80xi32, #tpu.memory_space<vmem>>, %arg12: memref<80xi32, #tpu.memory_space<vmem>>, %arg13: memref<80xi32, #tpu.memory_space<vmem>>, %arg14: memref<80xi32, #tpu.memory_space<vmem>>, %arg15: memref<80x128xf32, #tpu.memory_space<vmem>>, %arg16: memref<80x128xf32, #tpu.memory_space<vmem>>, %arg17: memref<80x128xf32, #tpu.memory_space<vmem>>, %arg18: memref<80x128xf32, #tpu.memory_space<vmem>>, %arg19: memref<10240x128xf32, #tpu.memory_space<vmem_shared>>, %arg20: memref<!tpu.dma_semaphore, #tpu.memory_space<semaphore_mem>>, %arg21: memref<!tpu.dma_semaphore, #tpu.memory_space<semaphore_mem>>, %arg22: memref<!tpu.dma_semaphore, #tpu.memory_space<semaphore_mem>>) attributes {dimension_semantics = [#tpu.dimension_semantics<core_parallel>, #tpu.dimension_semantics<subcore_parallel>], iteration_bounds = array<i64: 2, 16>, scalar_prefetch = 0 : i64, scratch_operands = 16 : i64, tpu.core_type = #tpu.core_type<sc_vector_subcore>, window_params = [{transform_indices = #map}, {transform_indices = #map1}, {transform_indices = #map1}, {transform_indices = #map}, {transform_indices = #map}]} {
    %broadcast_in_dim3A = arith.constant 0.000000e+00 : f32
    %broadcast_in_dim3A_0 = vector.broadcast %broadcast_in_dim3A : f32 to vector<16xf32>
    %scan3A = arith.constant 0 : i32
    %scan3A_1 = arith.constant 80 : i32
    %scan3A_2 = arith.addi %scan3A, %scan3A_1 : i32
    %scan3A_3 = arith.constant 1 : i32
    scf.for %scan3A_28 = %scan3A to %scan3A_2 step %scan3A_3  : i32 {
      %swap3A = arith.index_cast %scan3A_28 : i32 to index
      %swap3A_29 = arith.constant 0 : index
      %swap3A_30 = tpu.vector_load %arg15[%swap3A, %swap3A_29] {strides = array<i32>} : memref<80x128xf32, #tpu.memory_space<vmem>>, vector<1x16xf32>,
      %swap3A_31 = vector.shape_cast %swap3A_30 : vector<1x16xf32> to vector<16xf32>
      %swap3A_32 = vector.shape_cast %broadcast_in_dim3A_0 : vector<16xf32> to vector<1x16xf32>
      tpu.vector_store %arg15[%swap3A, %swap3A_29], %swap3A_32 {strides = array<i32>} : memref<80x128xf32, #tpu.memory_space<vmem>>, vector<1x16xf32>,
      %swap3A_33 = arith.index_cast %scan3A_28 : i32 to index
      %swap3A_34 = arith.constant 16 : index
      %swap3A_35 = tpu.vector_load %arg15[%swap3A_33, %swap3A_34] {strides = array<i32>} : memref<80x128xf32, #tpu.memory_space<vmem>>, vector<1x16xf32>,
      %swap3A_36 = vector.shape_cast %swap3A_35 : vector<1x16xf32> to vector<16xf32>
      %swap3A_37 = vector.shape_cast %broadcast_in_dim3A_0 : vector<16xf32> to vector<1x16xf32>
      tpu.vector_store %arg15[%swap3A_33, %swap3A_34], %swap3A_37 {strides = array<i32>} : memref<80x128xf32, #tpu.memory_space<vmem>>, vector<1x16xf32>,
      %swap3A_38 = arith.index_cast %scan3A_28 : i32 to index
      %swap3A_39 = arith.constant 32 : index
      %swap3A_40 = tpu.vector_load %arg15[%swap3A_38, %swap3A_39] {strides = array<i32>} : memref<80x128xf32, #tpu.memory_space<vmem>>, vector<1x16xf32>,
      %swap3A_41 = vector.shape_cast %swap3A_40 : vector<1x16xf32> to vector<16xf32>
      %swap3A_42 = vector.shape_cast %broadcast_in_dim3A_0 : vector<16xf32> to vector<1x16xf32>
      tpu.vector_store %arg15[%swap3A_38, %swap3A_39], %swap3A_42 {strides = array<i32>} : memref<80x128xf32, #tpu.memory_space<vmem>>, vector<1x16xf32>,
      %swap3A_43 = arith.index_cast %scan3A_28 : i32 to index
      %swap3A_44 = arith.constant 48 : index
      %swap3A_45 = tpu.vector_load %arg15[%swap3A_43, %swap3A_44] {strides = array<i32>} : memref<80x128xf32, #tpu.memory_space<vmem>>, vector<1x16xf32>,
      %swap3A_46 = vector.shape_cast %swap3A_45 : vector<1x16xf32> to vector<16xf32>
      %swap3A_47 = vector.shape_cast %broadcast_in_dim3A_0 : vector<16xf32> to vector<1x16xf32>
      tpu.vector_store %arg15[%swap3A_43, %swap3A_44], %swap3A_47 {strides = array<i32>} : memref<80x128xf32, #tpu.memory_space<vmem>>, vector<1x16xf32>,
      %swap3A_48 = arith.index_cast %scan3A_28 : i32 to index
      %swap3A_49 = arith.constant 64 : index
      %swap3A_50 = tpu.vector_load %arg15[%swap3A_48, %swap3A_49] {strides = array<i32>} : memref<80x128xf32, #tpu.memory_space<vmem>>, vector<1x16xf32>,
      %swap3A_51 = vector.shape_cast %swap3A_50 : vector<1x16xf32> to vector<16xf32>
      %swap3A_52 = vector.shape_cast %broadcast_in_dim3A_0 : vector<16xf32> to vector<1x16xf32>
      tpu.vector_store %arg15[%swap3A_48, %swap3A_49], %swap3A_52 {strides = array<i32>} : memref<80x128xf32, #tpu.memory_space<vmem>>, vector<1x16xf32>,
      %swap3A_53 = arith.index_cast %scan3A_28 : i32 to index
      %swap3A_54 = arith.constant 80 : index
      %swap3A_55 = tpu.vector_load %arg15[%swap3A_53, %swap3A_54] {strides = array<i32>} : memref<80x128xf32, #tpu.memory_space<vmem>>, vector<1x16xf32>,
      %swap3A_56 = vector.shape_cast %swap3A_55 : vector<1x16xf32> to vector<16xf32>
      %swap3A_57 = vector.shape_cast %broadcast_in_dim3A_0 : vector<16xf32> to vector<1x16xf32>
      tpu.vector_store %arg15[%swap3A_53, %swap3A_54], %swap3A_57 {strides = array<i32>} : memref<80x128xf32, #tpu.memory_space<vmem>>, vector<1x16xf32>,
      %swap3A_58 = arith.index_cast %scan3A_28 : i32 to index
      %swap3A_59 = arith.constant 96 : index
      %swap3A_60 = tpu.vector_load %arg15[%swap3A_58, %swap3A_59] {strides = array<i32>} : memref<80x128xf32, #tpu.memory_space<vmem>>, vector<1x16xf32>,
      %swap3A_61 = vector.shape_cast %swap3A_60 : vector<1x16xf32> to vector<16xf32>
      %swap3A_62 = vector.shape_cast %broadcast_in_dim3A_0 : vector<16xf32> to vector<1x16xf32>
      tpu.vector_store %arg15[%swap3A_58, %swap3A_59], %swap3A_62 {strides = array<i32>} : memref<80x128xf32, #tpu.memory_space<vmem>>, vector<1x16xf32>,
      %swap3A_63 = arith.index_cast %scan3A_28 : i32 to index
      %swap3A_64 = arith.constant 112 : index
      %swap3A_65 = tpu.vector_load %arg15[%swap3A_63, %swap3A_64] {strides = array<i32>} : memref<80x128xf32, #tpu.memory_space<vmem>>, vector<1x16xf32>,
      %swap3A_66 = vector.shape_cast %swap3A_65 : vector<1x16xf32> to vector<16xf32>
      %swap3A_67 = vector.shape_cast %broadcast_in_dim3A_0 : vector<16xf32> to vector<1x16xf32>
      tpu.vector_store %arg15[%swap3A_63, %swap3A_64], %swap3A_67 {strides = array<i32>} : memref<80x128xf32, #tpu.memory_space<vmem>>, vector<1x16xf32>,
    }
    %scan3A_4 = arith.constant 80 : i32
    %scan3A_5 = arith.constant 0 : i32
    %scan3A_6 = arith.constant 8 : i32
    %scan3A_7 = arith.addi %scan3A_5, %scan3A_6 : i32
    %scan3A_8 = arith.constant 1 : i32
    scf.for %scan3A_28 = %scan3A_5 to %scan3A_7 step %scan3A_8  : i32 {
      %mul3A = arith.constant 640 : i32
      %mul3A_29 = arith.muli %arg1, %mul3A : i32
      %mul3A_30 = arith.constant 80 : i32
      %mul3A_31 = arith.muli %scan3A_28, %mul3A_30 : i32
      %add3A = arith.addi %mul3A_29, %mul3A_31 : i32
      "tpu.region"() ({
        %run_scoped3A = tpu.sem_alloc : memref<!tpu.dma_semaphore, #tpu.memory_space<semaphore_mem>>
        %dma_start3A = arith.constant 0 : i32
        %dma_start3A_32 = tpu.memref_slice %arg19[%add3A, %dma_start3A] : memref<10240x128xf32, #tpu.memory_space<vmem_shared>> -> memref<80x128xf32, #tpu.memory_space<vmem_shared>>
        %dma_start3A_33 = arith.constant 0 : i32
        %dma_start3A_34 = tpu.memref_slice %arg19[%add3A, %dma_start3A_33] : memref<10240x128xf32, #tpu.memory_space<vmem_shared>> -> memref<80x128xf32, #tpu.memory_space<vmem_shared>>
        tpu.enqueue_dma source(%arg15 : memref<80x128xf32, #tpu.memory_space<vmem>>) target(%dma_start3A_34 : memref<80x128xf32, #tpu.memory_space<vmem_shared>>) target_semaphore(%run_scoped3A : memref<!tpu.dma_semaphore, #tpu.memory_space<semaphore_mem>>)
        %dma_wait3A = arith.constant 0 : i32
        %dma_wait3A_35 = tpu.memref_slice %arg19[%add3A, %dma_wait3A] : memref<10240x128xf32, #tpu.memory_space<vmem_shared>> -> memref<80x128xf32, #tpu.memory_space<vmem_shared>>
        %dma_wait3A_36 = arith.constant 0 : i32
        %dma_wait3A_37 = tpu.memref_slice %arg19[%add3A, %dma_wait3A_36] : memref<10240x128xf32, #tpu.memory_space<vmem_shared>> -> memref<80x128xf32, #tpu.memory_space<vmem_shared>>
        tpu.wait_dma2 semaphore(%run_scoped3A : memref<!tpu.dma_semaphore, #tpu.memory_space<semaphore_mem>>) src(%arg15 : memref<80x128xf32, #tpu.memory_space<vmem>>) dst(%dma_wait3A_37 : memref<80x128xf32, #tpu.memory_space<vmem_shared>>)
        tpu.yield
      }) : () -> ()
    }
    %scan3A_9 = arith.constant 8 : i32
    %eq3A = arith.constant 1 : i32
    %eq3A_10 = arith.cmpi eq, %arg0, %eq3A : i32
    %convert_element_type3A = arith.extui %eq3A_10 : i1 to i32
    %cond3A = arith.constant 0 : i32
    %cond3A_11 = arith.cmpi ne, %convert_element_type3A, %cond3A : i32
    scf.if %cond3A_11 {
      %broadcast_in_dim3A_28 = arith.constant 1.000000e+00 : f32
      %broadcast_in_dim3A_29 = vector.broadcast %broadcast_in_dim3A_28 : f32 to vector<16xf32>
      %scan3A_30 = arith.constant 0 : i32
      %scan3A_31 = arith.constant 80 : i32
      %scan3A_32 = arith.addi %scan3A_30, %scan3A_31 : i32
      %scan3A_33 = arith.constant 1 : i32
      scf.for %scan3A_35 = %scan3A_30 to %scan3A_32 step %scan3A_33  : i32 {
        %swap3A = arith.index_cast %scan3A_35 : i32 to index
        %swap3A_36 = arith.constant 0 : index
        %swap3A_37 = tpu.vector_load %arg15[%swap3A, %swap3A_36] {strides = array<i32>} : memref<80x128xf32, #tpu.memory_space<vmem>>, vector<1x16xf32>,
        %swap3A_38 = vector.shape_cast %swap3A_37 : vector<1x16xf32> to vector<16xf32>
        %swap3A_39 = vector.shape_cast %broadcast_in_dim3A_29 : vector<16xf32> to vector<1x16xf32>
        tpu.vector_store %arg15[%swap3A, %swap3A_36], %swap3A_39 {strides = array<i32>} : memref<80x128xf32, #tpu.memory_space<vmem>>, vector<1x16xf32>,
        %swap3A_40 = arith.index_cast %scan3A_35 : i32 to index
        %swap3A_41 = arith.constant 16 : index
        %swap3A_42 = tpu.vector_load %arg15[%swap3A_40, %swap3A_41] {strides = array<i32>} : memref<80x128xf32, #tpu.memory_space<vmem>>, vector<1x16xf32>,
        %swap3A_43 = vector.shape_cast %swap3A_42 : vector<1x16xf32> to vector<16xf32>
        %swap3A_44 = vector.shape_cast %broadcast_in_dim3A_29 : vector<16xf32> to vector<1x16xf32>
        tpu.vector_store %arg15[%swap3A_40, %swap3A_41], %swap3A_44 {strides = array<i32>} : memref<80x128xf32, #tpu.memory_space<vmem>>, vector<1x16xf32>,
        %swap3A_45 = arith.index_cast %scan3A_35 : i32 to index
        %swap3A_46 = arith.constant 32 : index
        %swap3A_47 = tpu.vector_load %arg15[%swap3A_45, %swap3A_46] {strides = array<i32>} : memref<80x128xf32, #tpu.memory_space<vmem>>, vector<1x16xf32>,
        %swap3A_48 = vector.shape_cast %swap3A_47 : vector<1x16xf32> to vector<16xf32>
        %swap3A_49 = vector.shape_cast %broadcast_in_dim3A_29 : vector<16xf32> to vector<1x16xf32>
        tpu.vector_store %arg15[%swap3A_45, %swap3A_46], %swap3A_49 {strides = array<i32>} : memref<80x128xf32, #tpu.memory_space<vmem>>, vector<1x16xf32>,
        %swap3A_50 = arith.index_cast %scan3A_35 : i32 to index
        %swap3A_51 = arith.constant 48 : index
        %swap3A_52 = tpu.vector_load %arg15[%swap3A_50, %swap3A_51] {strides = array<i32>} : memref<80x128xf32, #tpu.memory_space<vmem>>, vector<1x16xf32>,
        %swap3A_53 = vector.shape_cast %swap3A_52 : vector<1x16xf32> to vector<16xf32>
        %swap3A_54 = vector.shape_cast %broadcast_in_dim3A_29 : vector<16xf32> to vector<1x16xf32>
        tpu.vector_store %arg15[%swap3A_50, %swap3A_51], %swap3A_54 {strides = array<i32>} : memref<80x128xf32, #tpu.memory_space<vmem>>, vector<1x16xf32>,
        %swap3A_55 = arith.index_cast %scan3A_35 : i32 to index
        %swap3A_56 = arith.constant 64 : index
        %swap3A_57 = tpu.vector_load %arg15[%swap3A_55, %swap3A_56] {strides = array<i32>} : memref<80x128xf32, #tpu.memory_space<vmem>>, vector<1x16xf32>,
        %swap3A_58 = vector.shape_cast %swap3A_57 : vector<1x16xf32> to vector<16xf32>
        %swap3A_59 = vector.shape_cast %broadcast_in_dim3A_29 : vector<16xf32> to vector<1x16xf32>
        tpu.vector_store %arg15[%swap3A_55, %swap3A_56], %swap3A_59 {strides = array<i32>} : memref<80x128xf32, #tpu.memory_space<vmem>>, vector<1x16xf32>,
        %swap3A_60 = arith.index_cast %scan3A_35 : i32 to index
        %swap3A_61 = arith.constant 80 : index
        %swap3A_62 = tpu.vector_load %arg15[%swap3A_60, %swap3A_61] {strides = array<i32>} : memref<80x128xf32, #tpu.memory_space<vmem>>, vector<1x16xf32>,
        %swap3A_63 = vector.shape_cast %swap3A_62 : vector<1x16xf32> to vector<16xf32>
        %swap3A_64 = vector.shape_cast %broadcast_in_dim3A_29 : vector<16xf32> to vector<1x16xf32>
        tpu.vector_store %arg15[%swap3A_60, %swap3A_61], %swap3A_64 {strides = array<i32>} : memref<80x128xf32, #tpu.memory_space<vmem>>, vector<1x16xf32>,
        %swap3A_65 = arith.index_cast %scan3A_35 : i32 to index
        %swap3A_66 = arith.constant 96 : index
        %swap3A_67 = tpu.vector_load %arg15[%swap3A_65, %swap3A_66] {strides = array<i32>} : memref<80x128xf32, #tpu.memory_space<vmem>>, vector<1x16xf32>,
        %swap3A_68 = vector.shape_cast %swap3A_67 : vector<1x16xf32> to vector<16xf32>
        %swap3A_69 = vector.shape_cast %broadcast_in_dim3A_29 : vector<16xf32> to vector<1x16xf32>
        tpu.vector_store %arg15[%swap3A_65, %swap3A_66], %swap3A_69 {strides = array<i32>} : memref<80x128xf32, #tpu.memory_space<vmem>>, vector<1x16xf32>,
        %swap3A_70 = arith.index_cast %scan3A_35 : i32 to index
        %swap3A_71 = arith.constant 112 : index
        %swap3A_72 = tpu.vector_load %arg15[%swap3A_70, %swap3A_71] {strides = array<i32>} : memref<80x128xf32, #tpu.memory_space<vmem>>, vector<1x16xf32>,
        %swap3A_73 = vector.shape_cast %swap3A_72 : vector<1x16xf32> to vector<16xf32>
        %swap3A_74 = vector.shape_cast %broadcast_in_dim3A_29 : vector<16xf32> to vector<1x16xf32>
        tpu.vector_store %arg15[%swap3A_70, %swap3A_71], %swap3A_74 {strides = array<i32>} : memref<80x128xf32, #tpu.memory_space<vmem>>, vector<1x16xf32>,
      }
      %scan3A_34 = arith.constant 80 : i32
    } else {
    }
    %barrier3A = arith.constant 0 : index
    tpu.barrier barrier_id(%barrier3A)
    %eq3A_12 = arith.constant 0 : i32
    %eq3A_13 = arith.cmpi eq, %arg0, %eq3A_12 : i32
    %convert_element_type3A_14 = arith.extui %eq3A_13 : i1 to i32
    %cond3A_15 = arith.constant 0 : i32
    %cond3A_16 = arith.cmpi ne, %convert_element_type3A_14, %cond3A_15 : i32
    scf.if %cond3A_16 {
      %scan3A_28 = arith.constant 0 : i32
      %scan3A_29 = arith.constant 63 : i32
      %scan3A_30 = arith.addi %scan3A_28, %scan3A_29 : i32
      %scan3A_31 = arith.constant 1 : i32
      scf.for %scan3A_33 = %scan3A_28 to %scan3A_30 step %scan3A_31  : i32 {
        %mul3A = arith.constant 20160 : i32
        %mul3A_34 = arith.muli %arg1, %mul3A : i32
        %mul3A_35 = arith.constant 320 : i32
        %mul3A_36 = arith.muli %scan3A_33, %mul3A_35 : i32
        %add3A = arith.addi %mul3A_34, %mul3A_36 : i32
        %add3A_37 = arith.constant 0 : i32
        %add3A_38 = arith.addi %add3A, %add3A_37 : i32
        %dma_start3A = tpu.memref_slice %arg3[%add3A_38] : memref<322560xi32, #tpu.memory_space<hbm>> -> memref<80xi32, #tpu.memory_space<hbm>>
        %dma_start3A_39 = tpu.memref_slice %arg3[%add3A_38] : memref<322560xi32, #tpu.memory_space<hbm>> -> memref<80xi32, #tpu.memory_space<hbm>>
        tpu.enqueue_dma source(%dma_start3A_39 : memref<80xi32, #tpu.memory_space<hbm>>) target(%arg7 : memref<80xi32, #tpu.memory_space<vmem>>) target_semaphore(%arg20 : memref<!tpu.dma_semaphore, #tpu.memory_space<semaphore_mem>>)
        %add3A_40 = arith.constant 0 : i32
        %add3A_41 = arith.addi %add3A, %add3A_40 : i32
        %dma_start3A_42 = tpu.memref_slice %arg4[%add3A_41] : memref<322560xi32, #tpu.memory_space<hbm>> -> memref<80xi32, #tpu.memory_space<hbm>>
        %dma_start3A_43 = tpu.memref_slice %arg4[%add3A_41] : memref<322560xi32, #tpu.memory_space<hbm>> -> memref<80xi32, #tpu.memory_space<hbm>>
        tpu.enqueue_dma source(%dma_start3A_43 : memref<80xi32, #tpu.memory_space<hbm>>) target(%arg11 : memref<80xi32, #tpu.memory_space<vmem>>) target_semaphore(%arg20 : memref<!tpu.dma_semaphore, #tpu.memory_space<semaphore_mem>>)
        %add3A_44 = arith.constant 80 : i32
        %add3A_45 = arith.addi %add3A, %add3A_44 : i32
        %dma_start3A_46 = tpu.memref_slice %arg3[%add3A_45] : memref<322560xi32, #tpu.memory_space<hbm>> -> memref<80xi32, #tpu.memory_space<hbm>>
        %dma_start3A_47 = tpu.memref_slice %arg3[%add3A_45] : memref<322560xi32, #tpu.memory_space<hbm>> -> memref<80xi32, #tpu.memory_space<hbm>>
        tpu.enqueue_dma source(%dma_start3A_47 : memref<80xi32, #tpu.memory_space<hbm>>) target(%arg8 : memref<80xi32, #tpu.memory_space<vmem>>) target_semaphore(%arg20 : memref<!tpu.dma_semaphore, #tpu.memory_space<semaphore_mem>>)
        %add3A_48 = arith.constant 80 : i32
        %add3A_49 = arith.addi %add3A, %add3A_48 : i32
        %dma_start3A_50 = tpu.memref_slice %arg4[%add3A_49] : memref<322560xi32, #tpu.memory_space<hbm>> -> memref<80xi32, #tpu.memory_space<hbm>>
        %dma_start3A_51 = tpu.memref_slice %arg4[%add3A_49] : memref<322560xi32, #tpu.memory_space<hbm>> -> memref<80xi32, #tpu.memory_space<hbm>>
        tpu.enqueue_dma source(%dma_start3A_51 : memref<80xi32, #tpu.memory_space<hbm>>) target(%arg12 : memref<80xi32, #tpu.memory_space<vmem>>) target_semaphore(%arg20 : memref<!tpu.dma_semaphore, #tpu.memory_space<semaphore_mem>>)
        %add3A_52 = arith.constant 160 : i32
        %add3A_53 = arith.addi %add3A, %add3A_52 : i32
        %dma_start3A_54 = tpu.memref_slice %arg3[%add3A_53] : memref<322560xi32, #tpu.memory_space<hbm>> -> memref<80xi32, #tpu.memory_space<hbm>>
        %dma_start3A_55 = tpu.memref_slice %arg3[%add3A_53] : memref<322560xi32, #tpu.memory_space<hbm>> -> memref<80xi32, #tpu.memory_space<hbm>>
        tpu.enqueue_dma source(%dma_start3A_55 : memref<80xi32, #tpu.memory_space<hbm>>) target(%arg9 : memref<80xi32, #tpu.memory_space<vmem>>) target_semaphore(%arg20 : memref<!tpu.dma_semaphore, #tpu.memory_space<semaphore_mem>>)
        %add3A_56 = arith.constant 160 : i32
        %add3A_57 = arith.addi %add3A, %add3A_56 : i32
        %dma_start3A_58 = tpu.memref_slice %arg4[%add3A_57] : memref<322560xi32, #tpu.memory_space<hbm>> -> memref<80xi32, #tpu.memory_space<hbm>>
        %dma_start3A_59 = tpu.memref_slice %arg4[%add3A_57] : memref<322560xi32, #tpu.memory_space<hbm>> -> memref<80xi32, #tpu.memory_space<hbm>>
        tpu.enqueue_dma source(%dma_start3A_59 : memref<80xi32, #tpu.memory_space<hbm>>) target(%arg13 : memref<80xi32, #tpu.memory_space<vmem>>) target_semaphore(%arg20 : memref<!tpu.dma_semaphore, #tpu.memory_space<semaphore_mem>>)
        %add3A_60 = arith.constant 240 : i32
        %add3A_61 = arith.addi %add3A, %add3A_60 : i32
        %dma_start3A_62 = tpu.memref_slice %arg3[%add3A_61] : memref<322560xi32, #tpu.memory_space<hbm>> -> memref<80xi32, #tpu.memory_space<hbm>>
        %dma_start3A_63 = tpu.memref_slice %arg3[%add3A_61] : memref<322560xi32, #tpu.memory_space<hbm>> -> memref<80xi32, #tpu.memory_space<hbm>>
        tpu.enqueue_dma source(%dma_start3A_63 : memref<80xi32, #tpu.memory_space<hbm>>) target(%arg10 : memref<80xi32, #tpu.memory_space<vmem>>) target_semaphore(%arg20 : memref<!tpu.dma_semaphore, #tpu.memory_space<semaphore_mem>>)
        %add3A_64 = arith.constant 240 : i32
        %add3A_65 = arith.addi %add3A, %add3A_64 : i32
        %dma_start3A_66 = tpu.memref_slice %arg4[%add3A_65] : memref<322560xi32, #tpu.memory_space<hbm>> -> memref<80xi32, #tpu.memory_space<hbm>>
        %dma_start3A_67 = tpu.memref_slice %arg4[%add3A_65] : memref<322560xi32, #tpu.memory_space<hbm>> -> memref<80xi32, #tpu.memory_space<hbm>>
        tpu.enqueue_dma source(%dma_start3A_67 : memref<80xi32, #tpu.memory_space<hbm>>) target(%arg14 : memref<80xi32, #tpu.memory_space<vmem>>) target_semaphore(%arg20 : memref<!tpu.dma_semaphore, #tpu.memory_space<semaphore_mem>>)
        %dma_wait3A = tpu.memref_slice %arg3[%add3A_38] : memref<322560xi32, #tpu.memory_space<hbm>> -> memref<80xi32, #tpu.memory_space<hbm>>
        %dma_wait3A_68 = tpu.memref_slice %arg3[%add3A_38] : memref<322560xi32, #tpu.memory_space<hbm>> -> memref<80xi32, #tpu.memory_space<hbm>>
        tpu.wait_dma2 semaphore(%arg20 : memref<!tpu.dma_semaphore, #tpu.memory_space<semaphore_mem>>) src(%dma_wait3A_68 : memref<80xi32, #tpu.memory_space<hbm>>) dst(%arg7 : memref<80xi32, #tpu.memory_space<vmem>>)
        %dma_wait3A_69 = tpu.memref_slice %arg4[%add3A_41] : memref<322560xi32, #tpu.memory_space<hbm>> -> memref<80xi32, #tpu.memory_space<hbm>>
        %dma_wait3A_70 = tpu.memref_slice %arg4[%add3A_41] : memref<322560xi32, #tpu.memory_space<hbm>> -> memref<80xi32, #tpu.memory_space<hbm>>
        tpu.wait_dma2 semaphore(%arg20 : memref<!tpu.dma_semaphore, #tpu.memory_space<semaphore_mem>>) src(%dma_wait3A_70 : memref<80xi32, #tpu.memory_space<hbm>>) dst(%arg11 : memref<80xi32, #tpu.memory_space<vmem>>)
        %dma_wait3A_71 = tpu.memref_slice %arg3[%add3A_45] : memref<322560xi32, #tpu.memory_space<hbm>> -> memref<80xi32, #tpu.memory_space<hbm>>
        %dma_wait3A_72 = tpu.memref_slice %arg3[%add3A_45] : memref<322560xi32, #tpu.memory_space<hbm>> -> memref<80xi32, #tpu.memory_space<hbm>>
        tpu.wait_dma2 semaphore(%arg20 : memref<!tpu.dma_semaphore, #tpu.memory_space<semaphore_mem>>) src(%dma_wait3A_72 : memref<80xi32, #tpu.memory_space<hbm>>) dst(%arg8 : memref<80xi32, #tpu.memory_space<vmem>>)
        %dma_wait3A_73 = tpu.memref_slice %arg4[%add3A_49] : memref<322560xi32, #tpu.memory_space<hbm>> -> memref<80xi32, #tpu.memory_space<hbm>>
        %dma_wait3A_74 = tpu.memref_slice %arg4[%add3A_49] : memref<322560xi32, #tpu.memory_space<hbm>> -> memref<80xi32, #tpu.memory_space<hbm>>
        tpu.wait_dma2 semaphore(%arg20 : memref<!tpu.dma_semaphore, #tpu.memory_space<semaphore_mem>>) src(%dma_wait3A_74 : memref<80xi32, #tpu.memory_space<hbm>>) dst(%arg12 : memref<80xi32, #tpu.memory_space<vmem>>)
        %dma_wait3A_75 = tpu.memref_slice %arg3[%add3A_53] : memref<322560xi32, #tpu.memory_space<hbm>> -> memref<80xi32, #tpu.memory_space<hbm>>
        %dma_wait3A_76 = tpu.memref_slice %arg3[%add3A_53] : memref<322560xi32, #tpu.memory_space<hbm>> -> memref<80xi32, #tpu.memory_space<hbm>>
        tpu.wait_dma2 semaphore(%arg20 : memref<!tpu.dma_semaphore, #tpu.memory_space<semaphore_mem>>) src(%dma_wait3A_76 : memref<80xi32, #tpu.memory_space<hbm>>) dst(%arg9 : memref<80xi32, #tpu.memory_space<vmem>>)
        %dma_wait3A_77 = tpu.memref_slice %arg4[%add3A_57] : memref<322560xi32, #tpu.memory_space<hbm>> -> memref<80xi32, #tpu.memory_space<hbm>>
        %dma_wait3A_78 = tpu.memref_slice %arg4[%add3A_57] : memref<322560xi32, #tpu.memory_space<hbm>> -> memref<80xi32, #tpu.memory_space<hbm>>
        tpu.wait_dma2 semaphore(%arg20 : memref<!tpu.dma_semaphore, #tpu.memory_space<semaphore_mem>>) src(%dma_wait3A_78 : memref<80xi32, #tpu.memory_space<hbm>>) dst(%arg13 : memref<80xi32, #tpu.memory_space<vmem>>)
        %dma_wait3A_79 = tpu.memref_slice %arg3[%add3A_61] : memref<322560xi32, #tpu.memory_space<hbm>> -> memref<80xi32, #tpu.memory_space<hbm>>
        %dma_wait3A_80 = tpu.memref_slice %arg3[%add3A_61] : memref<322560xi32, #tpu.memory_space<hbm>> -> memref<80xi32, #tpu.memory_space<hbm>>
        tpu.wait_dma2 semaphore(%arg20 : memref<!tpu.dma_semaphore, #tpu.memory_space<semaphore_mem>>) src(%dma_wait3A_80 : memref<80xi32, #tpu.memory_space<hbm>>) dst(%arg10 : memref<80xi32, #tpu.memory_space<vmem>>)
        %dma_wait3A_81 = tpu.memref_slice %arg4[%add3A_65] : memref<322560xi32, #tpu.memory_space<hbm>> -> memref<80xi32, #tpu.memory_space<hbm>>
        %dma_wait3A_82 = tpu.memref_slice %arg4[%add3A_65] : memref<322560xi32, #tpu.memory_space<hbm>> -> memref<80xi32, #tpu.memory_space<hbm>>
        tpu.wait_dma2 semaphore(%arg20 : memref<!tpu.dma_semaphore, #tpu.memory_space<semaphore_mem>>) src(%dma_wait3A_82 : memref<80xi32, #tpu.memory_space<hbm>>) dst(%arg14 : memref<80xi32, #tpu.memory_space<vmem>>)
        %dma_start3A_83 = arith.constant 0 : i32
        %dma_start3A_84 = arith.constant 0 : i32
        %dma_start3A_85 = tpu.memref_slice %arg2[%dma_start3A_83, %dma_start3A_84] : memref<10000x128xf32, #tpu.memory_space<hbm>> -> memref<10000x128xf32, #tpu.memory_space<hbm>>
        tpu.enqueue_indirect_dma source(%dma_start3A_85 : memref<10000x128xf32, #tpu.memory_space<hbm>>) target(%arg15 : memref<80x128xf32, #tpu.memory_space<vmem>>) offsets(%arg7 : memref<80xi32, #tpu.memory_space<vmem>>) semaphore(%arg21 : memref<!tpu.dma_semaphore, #tpu.memory_space<semaphore_mem>>)
        %dma_start3A_86 = arith.constant 0 : i32
        %dma_start3A_87 = arith.constant 0 : i32
        %dma_start3A_88 = tpu.memref_slice %arg2[%dma_start3A_86, %dma_start3A_87] : memref<10000x128xf32, #tpu.memory_space<hbm>> -> memref<10000x128xf32, #tpu.memory_space<hbm>>
        tpu.enqueue_indirect_dma source(%dma_start3A_88 : memref<10000x128xf32, #tpu.memory_space<hbm>>) target(%arg16 : memref<80x128xf32, #tpu.memory_space<vmem>>) offsets(%arg8 : memref<80xi32, #tpu.memory_space<vmem>>) semaphore(%arg21 : memref<!tpu.dma_semaphore, #tpu.memory_space<semaphore_mem>>)
        %dma_start3A_89 = arith.constant 0 : i32
        %dma_start3A_90 = arith.constant 0 : i32
        %dma_start3A_91 = tpu.memref_slice %arg2[%dma_start3A_89, %dma_start3A_90] : memref<10000x128xf32, #tpu.memory_space<hbm>> -> memref<10000x128xf32, #tpu.memory_space<hbm>>
        tpu.enqueue_indirect_dma source(%dma_start3A_91 : memref<10000x128xf32, #tpu.memory_space<hbm>>) target(%arg17 : memref<80x128xf32, #tpu.memory_space<vmem>>) offsets(%arg9 : memref<80xi32, #tpu.memory_space<vmem>>) semaphore(%arg21 : memref<!tpu.dma_semaphore, #tpu.memory_space<semaphore_mem>>)
        %dma_start3A_92 = arith.constant 0 : i32
        %dma_start3A_93 = arith.constant 0 : i32
        %dma_start3A_94 = tpu.memref_slice %arg2[%dma_start3A_92, %dma_start3A_93] : memref<10000x128xf32, #tpu.memory_space<hbm>> -> memref<10000x128xf32, #tpu.memory_space<hbm>>
        tpu.enqueue_indirect_dma source(%dma_start3A_94 : memref<10000x128xf32, #tpu.memory_space<hbm>>) target(%arg18 : memref<80x128xf32, #tpu.memory_space<vmem>>) offsets(%arg10 : memref<80xi32, #tpu.memory_space<vmem>>) semaphore(%arg21 : memref<!tpu.dma_semaphore, #tpu.memory_space<semaphore_mem>>)
        %dma_wait3A_95 = arith.constant 0 : i32
        %dma_wait3A_96 = arith.constant 0 : i32
        %dma_wait3A_97 = tpu.memref_slice %arg2[%dma_wait3A_95, %dma_wait3A_96] : memref<10000x128xf32, #tpu.memory_space<hbm>> -> memref<10000x128xf32, #tpu.memory_space<hbm>>
        tpu.wait_indirect_dma semaphore(%arg21 : memref<!tpu.dma_semaphore, #tpu.memory_space<semaphore_mem>>) src(%dma_wait3A_97 : memref<10000x128xf32, #tpu.memory_space<hbm>>) dst(%arg15 : memref<80x128xf32, #tpu.memory_space<vmem>>)
        %dma_wait3A_98 = arith.constant 0 : i32
        %dma_wait3A_99 = arith.constant 0 : i32
        %dma_wait3A_100 = tpu.memref_slice %arg2[%dma_wait3A_98, %dma_wait3A_99] : memref<10000x128xf32, #tpu.memory_space<hbm>> -> memref<10000x128xf32, #tpu.memory_space<hbm>>
        tpu.wait_indirect_dma semaphore(%arg21 : memref<!tpu.dma_semaphore, #tpu.memory_space<semaphore_mem>>) src(%dma_wait3A_100 : memref<10000x128xf32, #tpu.memory_space<hbm>>) dst(%arg16 : memref<80x128xf32, #tpu.memory_space<vmem>>)
        %dma_wait3A_101 = arith.constant 0 : i32
        %dma_wait3A_102 = arith.constant 0 : i32
        %dma_wait3A_103 = tpu.memref_slice %arg2[%dma_wait3A_101, %dma_wait3A_102] : memref<10000x128xf32, #tpu.memory_space<hbm>> -> memref<10000x128xf32, #tpu.memory_space<hbm>>
        tpu.wait_indirect_dma semaphore(%arg21 : memref<!tpu.dma_semaphore, #tpu.memory_space<semaphore_mem>>) src(%dma_wait3A_103 : memref<10000x128xf32, #tpu.memory_space<hbm>>) dst(%arg17 : memref<80x128xf32, #tpu.memory_space<vmem>>)
        %dma_wait3A_104 = arith.constant 0 : i32
        %dma_wait3A_105 = arith.constant 0 : i32
        %dma_wait3A_106 = tpu.memref_slice %arg2[%dma_wait3A_104, %dma_wait3A_105] : memref<10000x128xf32, #tpu.memory_space<hbm>> -> memref<10000x128xf32, #tpu.memory_space<hbm>>
        tpu.wait_indirect_dma semaphore(%arg21 : memref<!tpu.dma_semaphore, #tpu.memory_space<semaphore_mem>>) src(%dma_wait3A_106 : memref<10000x128xf32, #tpu.memory_space<hbm>>) dst(%arg18 : memref<80x128xf32, #tpu.memory_space<vmem>>)
        %dma_start3A_107 = arith.constant 0 : i32
        %dma_start3A_108 = arith.constant 0 : i32
        %dma_start3A_109 = tpu.memref_slice %arg19[%dma_start3A_107, %dma_start3A_108] : memref<10240x128xf32, #tpu.memory_space<vmem_shared>> -> memref<10240x128xf32, #tpu.memory_space<vmem_shared>>
        tpu.enqueue_indirect_dma source(%arg15 : memref<80x128xf32, #tpu.memory_space<vmem>>) target(%dma_start3A_109 : memref<10240x128xf32, #tpu.memory_space<vmem_shared>>) offsets(%arg11 : memref<80xi32, #tpu.memory_space<vmem>>) semaphore(%arg22 : memref<!tpu.dma_semaphore, #tpu.memory_space<semaphore_mem>>) {add = true}
        %dma_start3A_110 = arith.constant 0 : i32
        %dma_start3A_111 = arith.constant 0 : i32
        %dma_start3A_112 = tpu.memref_slice %arg19[%dma_start3A_110, %dma_start3A_111] : memref<10240x128xf32, #tpu.memory_space<vmem_shared>> -> memref<10240x128xf32, #tpu.memory_space<vmem_shared>>
        tpu.enqueue_indirect_dma source(%arg16 : memref<80x128xf32, #tpu.memory_space<vmem>>) target(%dma_start3A_112 : memref<10240x128xf32, #tpu.memory_space<vmem_shared>>) offsets(%arg12 : memref<80xi32, #tpu.memory_space<vmem>>) semaphore(%arg22 : memref<!tpu.dma_semaphore, #tpu.memory_space<semaphore_mem>>) {add = true}
        %dma_start3A_113 = arith.constant 0 : i32
        %dma_start3A_114 = arith.constant 0 : i32
        %dma_start3A_115 = tpu.memref_slice %arg19[%dma_start3A_113, %dma_start3A_114] : memref<10240x128xf32, #tpu.memory_space<vmem_shared>> -> memref<10240x128xf32, #tpu.memory_space<vmem_shared>>
        tpu.enqueue_indirect_dma source(%arg17 : memref<80x128xf32, #tpu.memory_space<vmem>>) target(%dma_start3A_115 : memref<10240x128xf32, #tpu.memory_space<vmem_shared>>) offsets(%arg13 : memref<80xi32, #tpu.memory_space<vmem>>) semaphore(%arg22 : memref<!tpu.dma_semaphore, #tpu.memory_space<semaphore_mem>>) {add = true}
        %dma_start3A_116 = arith.constant 0 : i32
        %dma_start3A_117 = arith.constant 0 : i32
        %dma_start3A_118 = tpu.memref_slice %arg19[%dma_start3A_116, %dma_start3A_117] : memref<10240x128xf32, #tpu.memory_space<vmem_shared>> -> memref<10240x128xf32, #tpu.memory_space<vmem_shared>>
        tpu.enqueue_indirect_dma source(%arg18 : memref<80x128xf32, #tpu.memory_space<vmem>>) target(%dma_start3A_118 : memref<10240x128xf32, #tpu.memory_space<vmem_shared>>) offsets(%arg14 : memref<80xi32, #tpu.memory_space<vmem>>) semaphore(%arg22 : memref<!tpu.dma_semaphore, #tpu.memory_space<semaphore_mem>>) {add = true}
        %dma_wait3A_119 = arith.constant 0 : i32
        %dma_wait3A_120 = arith.constant 0 : i32
        %dma_wait3A_121 = tpu.memref_slice %arg19[%dma_wait3A_119, %dma_wait3A_120] : memref<10240x128xf32, #tpu.memory_space<vmem_shared>> -> memref<10240x128xf32, #tpu.memory_space<vmem_shared>>
        tpu.wait_indirect_dma semaphore(%arg22 : memref<!tpu.dma_semaphore, #tpu.memory_space<semaphore_mem>>) src(%arg15 : memref<80x128xf32, #tpu.memory_space<vmem>>) dst(%dma_wait3A_121 : memref<10240x128xf32, #tpu.memory_space<vmem_shared>>)
        %dma_wait3A_122 = arith.constant 0 : i32
        %dma_wait3A_123 = arith.constant 0 : i32
        %dma_wait3A_124 = tpu.memref_slice %arg19[%dma_wait3A_122, %dma_wait3A_123] : memref<10240x128xf32, #tpu.memory_space<vmem_shared>> -> memref<10240x128xf32, #tpu.memory_space<vmem_shared>>
        tpu.wait_indirect_dma semaphore(%arg22 : memref<!tpu.dma_semaphore, #tpu.memory_space<semaphore_mem>>) src(%arg16 : memref<80x128xf32, #tpu.memory_space<vmem>>) dst(%dma_wait3A_124 : memref<10240x128xf32, #tpu.memory_space<vmem_shared>>)
        %dma_wait3A_125 = arith.constant 0 : i32
        %dma_wait3A_126 = arith.constant 0 : i32
        %dma_wait3A_127 = tpu.memref_slice %arg19[%dma_wait3A_125, %dma_wait3A_126] : memref<10240x128xf32, #tpu.memory_space<vmem_shared>> -> memref<10240x128xf32, #tpu.memory_space<vmem_shared>>
        tpu.wait_indirect_dma semaphore(%arg22 : memref<!tpu.dma_semaphore, #tpu.memory_space<semaphore_mem>>) src(%arg17 : memref<80x128xf32, #tpu.memory_space<vmem>>) dst(%dma_wait3A_127 : memref<10240x128xf32, #tpu.memory_space<vmem_shared>>)
        %dma_wait3A_128 = arith.constant 0 : i32
        %dma_wait3A_129 = arith.constant 0 : i32
        %dma_wait3A_130 = tpu.memref_slice %arg19[%dma_wait3A_128, %dma_wait3A_129] : memref<10240x128xf32, #tpu.memory_space<vmem_shared>> -> memref<10240x128xf32, #tpu.memory_space<vmem_shared>>
        tpu.wait_indirect_dma semaphore(%arg22 : memref<!tpu.dma_semaphore, #tpu.memory_space<semaphore_mem>>) src(%arg18 : memref<80x128xf32, #tpu.memory_space<vmem>>) dst(%dma_wait3A_130 : memref<10240x128xf32, #tpu.memory_space<vmem_shared>>)
      }
      %scan3A_32 = arith.constant 63 : i32
    } else {
    }
    %eq3A_17 = arith.constant 1 : i32
    %eq3A_18 = arith.cmpi eq, %arg0, %eq3A_17 : i32
    %convert_element_type3A_19 = arith.extui %eq3A_18 : i1 to i32
    %cond3A_20 = arith.constant 0 : i32
    %cond3A_21 = arith.cmpi ne, %convert_element_type3A_19, %cond3A_20 : i32
    scf.if %cond3A_21 {
      %scan3A_28 = arith.constant 0 : i32
      %scan3A_29 = arith.constant 63 : i32
      %scan3A_30 = arith.addi %scan3A_28, %scan3A_29 : i32
      %scan3A_31 = arith.constant 1 : i32
      scf.for %scan3A_33 = %scan3A_28 to %scan3A_30 step %scan3A_31  : i32 {
        %mul3A = arith.constant 20160 : i32
        %mul3A_34 = arith.muli %arg1, %mul3A : i32
        %mul3A_35 = arith.constant 320 : i32
        %mul3A_36 = arith.muli %scan3A_33, %mul3A_35 : i32
        %add3A = arith.addi %mul3A_34, %mul3A_36 : i32
        %add3A_37 = arith.constant 0 : i32
        %add3A_38 = arith.addi %add3A, %add3A_37 : i32
        %dma_start3A = tpu.memref_slice %arg4[%add3A_38] : memref<322560xi32, #tpu.memory_space<hbm>> -> memref<80xi32, #tpu.memory_space<hbm>>
        %dma_start3A_39 = tpu.memref_slice %arg4[%add3A_38] : memref<322560xi32, #tpu.memory_space<hbm>> -> memref<80xi32, #tpu.memory_space<hbm>>
        tpu.enqueue_dma source(%dma_start3A_39 : memref<80xi32, #tpu.memory_space<hbm>>) target(%arg11 : memref<80xi32, #tpu.memory_space<vmem>>) target_semaphore(%arg20 : memref<!tpu.dma_semaphore, #tpu.memory_space<semaphore_mem>>)
        %add3A_40 = arith.constant 80 : i32
        %add3A_41 = arith.addi %add3A, %add3A_40 : i32
        %dma_start3A_42 = tpu.memref_slice %arg4[%add3A_41] : memref<322560xi32, #tpu.memory_space<hbm>> -> memref<80xi32, #tpu.memory_space<hbm>>
        %dma_start3A_43 = tpu.memref_slice %arg4[%add3A_41] : memref<322560xi32, #tpu.memory_space<hbm>> -> memref<80xi32, #tpu.memory_space<hbm>>
        tpu.enqueue_dma source(%dma_start3A_43 : memref<80xi32, #tpu.memory_space<hbm>>) target(%arg12 : memref<80xi32, #tpu.memory_space<vmem>>) target_semaphore(%arg20 : memref<!tpu.dma_semaphore, #tpu.memory_space<semaphore_mem>>)
        %add3A_44 = arith.constant 160 : i32
        %add3A_45 = arith.addi %add3A, %add3A_44 : i32
        %dma_start3A_46 = tpu.memref_slice %arg4[%add3A_45] : memref<322560xi32, #tpu.memory_space<hbm>> -> memref<80xi32, #tpu.memory_space<hbm>>
        %dma_start3A_47 = tpu.memref_slice %arg4[%add3A_45] : memref<322560xi32, #tpu.memory_space<hbm>> -> memref<80xi32, #tpu.memory_space<hbm>>
        tpu.enqueue_dma source(%dma_start3A_47 : memref<80xi32, #tpu.memory_space<hbm>>) target(%arg13 : memref<80xi32, #tpu.memory_space<vmem>>) target_semaphore(%arg20 : memref<!tpu.dma_semaphore, #tpu.memory_space<semaphore_mem>>)
        %add3A_48 = arith.constant 240 : i32
        %add3A_49 = arith.addi %add3A, %add3A_48 : i32
        %dma_start3A_50 = tpu.memref_slice %arg4[%add3A_49] : memref<322560xi32, #tpu.memory_space<hbm>> -> memref<80xi32, #tpu.memory_space<hbm>>
        %dma_start3A_51 = tpu.memref_slice %arg4[%add3A_49] : memref<322560xi32, #tpu.memory_space<hbm>> -> memref<80xi32, #tpu.memory_space<hbm>>
        tpu.enqueue_dma source(%dma_start3A_51 : memref<80xi32, #tpu.memory_space<hbm>>) target(%arg14 : memref<80xi32, #tpu.memory_space<vmem>>) target_semaphore(%arg20 : memref<!tpu.dma_semaphore, #tpu.memory_space<semaphore_mem>>)
        %dma_wait3A = tpu.memref_slice %arg4[%add3A_38] : memref<322560xi32, #tpu.memory_space<hbm>> -> memref<80xi32, #tpu.memory_space<hbm>>
        %dma_wait3A_52 = tpu.memref_slice %arg4[%add3A_38] : memref<322560xi32, #tpu.memory_space<hbm>> -> memref<80xi32, #tpu.memory_space<hbm>>
        tpu.wait_dma2 semaphore(%arg20 : memref<!tpu.dma_semaphore, #tpu.memory_space<semaphore_mem>>) src(%dma_wait3A_52 : memref<80xi32, #tpu.memory_space<hbm>>) dst(%arg11 : memref<80xi32, #tpu.memory_space<vmem>>)
        %dma_wait3A_53 = tpu.memref_slice %arg4[%add3A_41] : memref<322560xi32, #tpu.memory_space<hbm>> -> memref<80xi32, #tpu.memory_space<hbm>>
        %dma_wait3A_54 = tpu.memref_slice %arg4[%add3A_41] : memref<322560xi32, #tpu.memory_space<hbm>> -> memref<80xi32, #tpu.memory_space<hbm>>
        tpu.wait_dma2 semaphore(%arg20 : memref<!tpu.dma_semaphore, #tpu.memory_space<semaphore_mem>>) src(%dma_wait3A_54 : memref<80xi32, #tpu.memory_space<hbm>>) dst(%arg12 : memref<80xi32, #tpu.memory_space<vmem>>)
        %dma_wait3A_55 = tpu.memref_slice %arg4[%add3A_45] : memref<322560xi32, #tpu.memory_space<hbm>> -> memref<80xi32, #tpu.memory_space<hbm>>
        %dma_wait3A_56 = tpu.memref_slice %arg4[%add3A_45] : memref<322560xi32, #tpu.memory_space<hbm>> -> memref<80xi32, #tpu.memory_space<hbm>>
        tpu.wait_dma2 semaphore(%arg20 : memref<!tpu.dma_semaphore, #tpu.memory_space<semaphore_mem>>) src(%dma_wait3A_56 : memref<80xi32, #tpu.memory_space<hbm>>) dst(%arg13 : memref<80xi32, #tpu.memory_space<vmem>>)
        %dma_wait3A_57 = tpu.memref_slice %arg4[%add3A_49] : memref<322560xi32, #tpu.memory_space<hbm>> -> memref<80xi32, #tpu.memory_space<hbm>>
        %dma_wait3A_58 = tpu.memref_slice %arg4[%add3A_49] : memref<322560xi32, #tpu.memory_space<hbm>> -> memref<80xi32, #tpu.memory_space<hbm>>
        tpu.wait_dma2 semaphore(%arg20 : memref<!tpu.dma_semaphore, #tpu.memory_space<semaphore_mem>>) src(%dma_wait3A_58 : memref<80xi32, #tpu.memory_space<hbm>>) dst(%arg14 : memref<80xi32, #tpu.memory_space<vmem>>)
        %dma_start3A_59 = arith.constant 0 : i32
        %dma_start3A_60 = arith.constant 0 : i32
        %dma_start3A_61 = tpu.memref_slice %arg19[%dma_start3A_59, %dma_start3A_60] : memref<10240x128xf32, #tpu.memory_space<vmem_shared>> -> memref<10240x128xf32, #tpu.memory_space<vmem_shared>>
        tpu.enqueue_indirect_dma source(%arg15 : memref<80x128xf32, #tpu.memory_space<vmem>>) target(%dma_start3A_61 : memref<10240x128xf32, #tpu.memory_space<vmem_shared>>) offsets(%arg11 : memref<80xi32, #tpu.memory_space<vmem>>) semaphore(%arg22 : memref<!tpu.dma_semaphore, #tpu.memory_space<semaphore_mem>>) {add = true}
        %dma_start3A_62 = arith.constant 0 : i32
        %dma_start3A_63 = arith.constant 0 : i32
        %dma_start3A_64 = tpu.memref_slice %arg19[%dma_start3A_62, %dma_start3A_63] : memref<10240x128xf32, #tpu.memory_space<vmem_shared>> -> memref<10240x128xf32, #tpu.memory_space<vmem_shared>>
        tpu.enqueue_indirect_dma source(%arg15 : memref<80x128xf32, #tpu.memory_space<vmem>>) target(%dma_start3A_64 : memref<10240x128xf32, #tpu.memory_space<vmem_shared>>) offsets(%arg12 : memref<80xi32, #tpu.memory_space<vmem>>) semaphore(%arg22 : memref<!tpu.dma_semaphore, #tpu.memory_space<semaphore_mem>>) {add = true}
        %dma_start3A_65 = arith.constant 0 : i32
        %dma_start3A_66 = arith.constant 0 : i32
        %dma_start3A_67 = tpu.memref_slice %arg19[%dma_start3A_65, %dma_start3A_66] : memref<10240x128xf32, #tpu.memory_space<vmem_shared>> -> memref<10240x128xf32, #tpu.memory_space<vmem_shared>>
        tpu.enqueue_indirect_dma source(%arg15 : memref<80x128xf32, #tpu.memory_space<vmem>>) target(%dma_start3A_67 : memref<10240x128xf32, #tpu.memory_space<vmem_shared>>) offsets(%arg13 : memref<80xi32, #tpu.memory_space<vmem>>) semaphore(%arg22 : memref<!tpu.dma_semaphore, #tpu.memory_space<semaphore_mem>>) {add = true}
        %dma_start3A_68 = arith.constant 0 : i32
        %dma_start3A_69 = arith.constant 0 : i32
        %dma_start3A_70 = tpu.memref_slice %arg19[%dma_start3A_68, %dma_start3A_69] : memref<10240x128xf32, #tpu.memory_space<vmem_shared>> -> memref<10240x128xf32, #tpu.memory_space<vmem_shared>>
        tpu.enqueue_indirect_dma source(%arg15 : memref<80x128xf32, #tpu.memory_space<vmem>>) target(%dma_start3A_70 : memref<10240x128xf32, #tpu.memory_space<vmem_shared>>) offsets(%arg14 : memref<80xi32, #tpu.memory_space<vmem>>) semaphore(%arg22 : memref<!tpu.dma_semaphore, #tpu.memory_space<semaphore_mem>>) {add = true}
        %dma_wait3A_71 = arith.constant 0 : i32
        %dma_wait3A_72 = arith.constant 0 : i32
        %dma_wait3A_73 = tpu.memref_slice %arg19[%dma_wait3A_71, %dma_wait3A_72] : memref<10240x128xf32, #tpu.memory_space<vmem_shared>> -> memref<10240x128xf32, #tpu.memory_space<vmem_shared>>
        tpu.wait_indirect_dma semaphore(%arg22 : memref<!tpu.dma_semaphore, #tpu.memory_space<semaphore_mem>>) src(%arg15 : memref<80x128xf32, #tpu.memory_space<vmem>>) dst(%dma_wait3A_73 : memref<10240x128xf32, #tpu.memory_space<vmem_shared>>)
        %dma_wait3A_74 = arith.constant 0 : i32
        %dma_wait3A_75 = arith.constant 0 : i32
        %dma_wait3A_76 = tpu.memref_slice %arg19[%dma_wait3A_74, %dma_wait3A_75] : memref<10240x128xf32, #tpu.memory_space<vmem_shared>> -> memref<10240x128xf32, #tpu.memory_space<vmem_shared>>
        tpu.wait_indirect_dma semaphore(%arg22 : memref<!tpu.dma_semaphore, #tpu.memory_space<semaphore_mem>>) src(%arg15 : memref<80x128xf32, #tpu.memory_space<vmem>>) dst(%dma_wait3A_76 : memref<10240x128xf32, #tpu.memory_space<vmem_shared>>)
        %dma_wait3A_77 = arith.constant 0 : i32
        %dma_wait3A_78 = arith.constant 0 : i32
        %dma_wait3A_79 = tpu.memref_slice %arg19[%dma_wait3A_77, %dma_wait3A_78] : memref<10240x128xf32, #tpu.memory_space<vmem_shared>> -> memref<10240x128xf32, #tpu.memory_space<vmem_shared>>
        tpu.wait_indirect_dma semaphore(%arg22 : memref<!tpu.dma_semaphore, #tpu.memory_space<semaphore_mem>>) src(%arg15 : memref<80x128xf32, #tpu.memory_space<vmem>>) dst(%dma_wait3A_79 : memref<10240x128xf32, #tpu.memory_space<vmem_shared>>)
        %dma_wait3A_80 = arith.constant 0 : i32
        %dma_wait3A_81 = arith.constant 0 : i32
        %dma_wait3A_82 = tpu.memref_slice %arg19[%dma_wait3A_80, %dma_wait3A_81] : memref<10240x128xf32, #tpu.memory_space<vmem_shared>> -> memref<10240x128xf32, #tpu.memory_space<vmem_shared>>
        tpu.wait_indirect_dma semaphore(%arg22 : memref<!tpu.dma_semaphore, #tpu.memory_space<semaphore_mem>>) src(%arg15 : memref<80x128xf32, #tpu.memory_space<vmem>>) dst(%dma_wait3A_82 : memref<10240x128xf32, #tpu.memory_space<vmem_shared>>)
      }
      %scan3A_32 = arith.constant 63 : i32
    } else {
    }
    %barrier3A_22 = arith.constant 0 : index
    tpu.barrier barrier_id(%barrier3A_22)
    %scan3A_23 = arith.constant 0 : i32
    %scan3A_24 = arith.constant 8 : i32
    %scan3A_25 = arith.addi %scan3A_23, %scan3A_24 : i32
    %scan3A_26 = arith.constant 1 : i32
    scf.for %scan3A_28 = %scan3A_23 to %scan3A_25 step %scan3A_26  : i32 {
      %mul3A = arith.constant 640 : i32
      %mul3A_29 = arith.muli %arg1, %mul3A : i32
      %mul3A_30 = arith.constant 80 : i32
      %mul3A_31 = arith.muli %scan3A_28, %mul3A_30 : i32
      %add3A = arith.addi %mul3A_29, %mul3A_31 : i32
      "tpu.region"() ({
        %run_scoped3A = tpu.sem_alloc : memref<!tpu.dma_semaphore, #tpu.memory_space<semaphore_mem>>
        %dma_start3A = arith.constant 0 : i32
        %dma_start3A_42 = tpu.memref_slice %arg19[%add3A, %dma_start3A] : memref<10240x128xf32, #tpu.memory_space<vmem_shared>> -> memref<80x128xf32, #tpu.memory_space<vmem_shared>>
        %dma_start3A_43 = arith.constant 0 : i32
        %dma_start3A_44 = tpu.memref_slice %arg19[%add3A, %dma_start3A_43] : memref<10240x128xf32, #tpu.memory_space<vmem_shared>> -> memref<80x128xf32, #tpu.memory_space<vmem_shared>>
        tpu.enqueue_dma source(%dma_start3A_44 : memref<80x128xf32, #tpu.memory_space<vmem_shared>>) target(%arg15 : memref<80x128xf32, #tpu.memory_space<vmem>>) target_semaphore(%run_scoped3A : memref<!tpu.dma_semaphore, #tpu.memory_space<semaphore_mem>>)
        %dma_wait3A = arith.constant 0 : i32
        %dma_wait3A_45 = tpu.memref_slice %arg19[%add3A, %dma_wait3A] : memref<10240x128xf32, #tpu.memory_space<vmem_shared>> -> memref<80x128xf32, #tpu.memory_space<vmem_shared>>
        %dma_wait3A_46 = arith.constant 0 : i32
        %dma_wait3A_47 = tpu.memref_slice %arg19[%add3A, %dma_wait3A_46] : memref<10240x128xf32, #tpu.memory_space<vmem_shared>> -> memref<80x128xf32, #tpu.memory_space<vmem_shared>>
        tpu.wait_dma2 semaphore(%run_scoped3A : memref<!tpu.dma_semaphore, #tpu.memory_space<semaphore_mem>>) src(%dma_wait3A_47 : memref<80x128xf32, #tpu.memory_space<vmem_shared>>) dst(%arg15 : memref<80x128xf32, #tpu.memory_space<vmem>>)
        tpu.yield
      }) : () -> ()
      %eq3A_32 = arith.constant 0 : i32
      %eq3A_33 = arith.cmpi eq, %arg0, %eq3A_32 : i32
      %convert_element_type3A_34 = arith.extui %eq3A_33 : i1 to i32
      %cond3A_35 = arith.constant 0 : i32
      %cond3A_36 = arith.cmpi ne, %convert_element_type3A_34, %cond3A_35 : i32
      scf.if %cond3A_36 {
        %mul3A_42 = arith.constant 640 : i32
        %mul3A_43 = arith.muli %arg1, %mul3A_42 : i32
        %mul3A_44 = arith.constant 80 : i32
        %mul3A_45 = arith.muli %scan3A_28, %mul3A_44 : i32
        %add3A_46 = arith.addi %mul3A_43, %mul3A_45 : i32
        "tpu.region"() ({
          %run_scoped3A = tpu.sem_alloc : memref<!tpu.dma_semaphore, #tpu.memory_space<semaphore_mem>>
          %dma_start3A = arith.constant 0 : i32
          %dma_start3A_47 = tpu.memref_slice %arg5[%add3A_46, %dma_start3A] : memref<10240x128xf32, #tpu.memory_space<hbm>> -> memref<80x128xf32, #tpu.memory_space<hbm>>
          %dma_start3A_48 = arith.constant 0 : i32
          %dma_start3A_49 = tpu.memref_slice %arg5[%add3A_46, %dma_start3A_48] : memref<10240x128xf32, #tpu.memory_space<hbm>> -> memref<80x128xf32, #tpu.memory_space<hbm>>
          tpu.enqueue_dma source(%arg15 : memref<80x128xf32, #tpu.memory_space<vmem>>) target(%dma_start3A_49 : memref<80x128xf32, #tpu.memory_space<hbm>>) target_semaphore(%run_scoped3A : memref<!tpu.dma_semaphore, #tpu.memory_space<semaphore_mem>>)
          %dma_wait3A = arith.constant 0 : i32
          %dma_wait3A_50 = tpu.memref_slice %arg5[%add3A_46, %dma_wait3A] : memref<10240x128xf32, #tpu.memory_space<hbm>> -> memref<80x128xf32, #tpu.memory_space<hbm>>
          %dma_wait3A_51 = arith.constant 0 : i32
          %dma_wait3A_52 = tpu.memref_slice %arg5[%add3A_46, %dma_wait3A_51] : memref<10240x128xf32, #tpu.memory_space<hbm>> -> memref<80x128xf32, #tpu.memory_space<hbm>>
          tpu.wait_dma2 semaphore(%run_scoped3A : memref<!tpu.dma_semaphore, #tpu.memory_space<semaphore_mem>>) src(%arg15 : memref<80x128xf32, #tpu.memory_space<vmem>>) dst(%dma_wait3A_52 : memref<80x128xf32, #tpu.memory_space<hbm>>)
          tpu.yield
        }) : () -> ()
      } else {
      }
      %eq3A_37 = arith.constant 1 : i32
      %eq3A_38 = arith.cmpi eq, %arg0, %eq3A_37 : i32
      %convert_element_type3A_39 = arith.extui %eq3A_38 : i1 to i32
      %cond3A_40 = arith.constant 0 : i32
      %cond3A_41 = arith.cmpi ne, %convert_element_type3A_39, %cond3A_40 : i32
      scf.if %cond3A_41 {
        %mul3A_42 = arith.constant 640 : i32
        %mul3A_43 = arith.muli %arg1, %mul3A_42 : i32
        %mul3A_44 = arith.constant 80 : i32
        %mul3A_45 = arith.muli %scan3A_28, %mul3A_44 : i32
        %add3A_46 = arith.addi %mul3A_43, %mul3A_45 : i32
        "tpu.region"() ({
          %run_scoped3A = tpu.sem_alloc : memref<!tpu.dma_semaphore, #tpu.memory_space<semaphore_mem>>
          %dma_start3A = arith.constant 0 : i32
          %dma_start3A_47 = tpu.memref_slice %arg6[%add3A_46, %dma_start3A] : memref<10240x128xf32, #tpu.memory_space<hbm>> -> memref<80x128xf32, #tpu.memory_space<hbm>>
          %dma_start3A_48 = arith.constant 0 : i32
          %dma_start3A_49 = tpu.memref_slice %arg6[%add3A_46, %dma_start3A_48] : memref<10240x128xf32, #tpu.memory_space<hbm>> -> memref<80x128xf32, #tpu.memory_space<hbm>>
          tpu.enqueue_dma source(%arg15 : memref<80x128xf32, #tpu.memory_space<vmem>>) target(%dma_start3A_49 : memref<80x128xf32, #tpu.memory_space<hbm>>) target_semaphore(%run_scoped3A : memref<!tpu.dma_semaphore, #tpu.memory_space<semaphore_mem>>)
          %dma_wait3A = arith.constant 0 : i32
          %dma_wait3A_50 = tpu.memref_slice %arg6[%add3A_46, %dma_wait3A] : memref<10240x128xf32, #tpu.memory_space<hbm>> -> memref<80x128xf32, #tpu.memory_space<hbm>>
          %dma_wait3A_51 = arith.constant 0 : i32
          %dma_wait3A_52 = tpu.memref_slice %arg6[%add3A_46, %dma_wait3A_51] : memref<10240x128xf32, #tpu.memory_space<hbm>> -> memref<80x128xf32, #tpu.memory_space<hbm>>
          tpu.wait_dma2 semaphore(%run_scoped3A : memref<!tpu.dma_semaphore, #tpu.memory_space<semaphore_mem>>) src(%arg15 : memref<80x128xf32, #tpu.memory_space<vmem>>) dst(%dma_wait3A_52 : memref<80x128xf32, #tpu.memory_space<hbm>>)
          tpu.yield
        }) : () -> ()
      } else {
      }
    }
    %scan3A_27 = arith.constant 8 : i32
    return
  }
}

module attributes {stable_mosaic.version = 14 : i64} {
  func.func @_tc1_body(%arg0: i32, %arg1: memref<1000x128xf32, #tpu.memory_space<vmem>>, %arg2: memref<128x128xf32, #tpu.memory_space<vmem>>, %arg3: memref<1x128xf32, #tpu.memory_space<vmem>>, %arg4: memref<1000x128xf32, #tpu.memory_space<vmem>>, %arg5: memref<1000x128xf32, #tpu.memory_space<vmem>>) attributes {dimension_semantics = [#tpu.dimension_semantics<arbitrary>], iteration_bounds = array<i64: 10>, scalar_prefetch = 0 : i64, scratch_operands = 0 : i64, tpu.core_type = #tpu.core_type<tc>, window_params = [{transform_indices = @transform_0, window_bounds = array<i64: 1000, 128>}, {pipeline_mode = #tpu.pipeline_mode<synchronous>, transform_indices = @transform_1, window_bounds = array<i64: 128, 128>}, {pipeline_mode = #tpu.pipeline_mode<synchronous>, transform_indices = @transform_2, window_bounds = array<i64: 1, 128>}, {transform_indices = @transform_3, window_bounds = array<i64: 1000, 128>}, {transform_indices = @transform_4, window_bounds = array<i64: 1000, 128>}]} {
    %get3A = arith.constant 0 : index
    %get3A_0 = arith.constant 0 : index
    %get3A_1 = vector.load %arg1[%get3A, %get3A_0] : memref<1000x128xf32, #tpu.memory_space<vmem>>, vector<1000x128xf32>
    %get3A_2 = arith.constant 0 : index
    %get3A_3 = arith.constant 0 : index
    %get3A_4 = vector.load %arg2[%get3A_2, %get3A_3] : memref<128x128xf32, #tpu.memory_space<vmem>>, vector<128x128xf32>
    %dot_general3A = arith.constant dense<0.000000e+00> : vector<1000x128xf32>
    %dot_general3A_5 = tpu.matmul %get3A_1, %get3A_4, %dot_general3A {dimension_numbers = #tpu.dot_dimension_numbers<[1], [0], [0], [1], [0, 0, 1, 1], [], []>, transpose_lhs_hint = false} : vector<1000x128xf32>, vector<128x128xf32>, vector<1000x128xf32> -> vector<1000x128xf32>
    %get3A_6 = arith.constant 0 : index
    %get3A_7 = arith.constant 0 : index
    %get3A_8 = vector.load %arg3[%get3A_6, %get3A_7] : memref<1x128xf32, #tpu.memory_space<vmem>>, vector<1x128xf32>
    %add3A = vector.broadcast %get3A_8 : vector<1x128xf32> to vector<1000x128xf32>
    %add3A_9 = arith.addf %dot_general3A_5, %add3A : vector<1000x128xf32>
    %swap3A = arith.constant 0 : index
    %swap3A_10 = arith.constant 0 : index
    %swap3A_11 = vector.load %arg4[%swap3A, %swap3A_10] : memref<1000x128xf32, #tpu.memory_space<vmem>>, vector<1000x128xf32>
    tpu.vector_store %arg4[%swap3A, %swap3A_10], %add3A_9 {strides = array<i32>} : memref<1000x128xf32, #tpu.memory_space<vmem>>, vector<1000x128xf32>,
    %max3A = arith.constant 0.000000e+00 : f32
    %max3A_12 = vector.broadcast %max3A : f32 to vector<1000x128xf32>
    %max3A_13 = arith.maximumf %add3A_9, %max3A_12 : vector<1000x128xf32>
    %swap3A_14 = arith.constant 0 : index
    %swap3A_15 = arith.constant 0 : index
    %swap3A_16 = vector.load %arg5[%swap3A_14, %swap3A_15] : memref<1000x128xf32, #tpu.memory_space<vmem>>, vector<1000x128xf32>
    tpu.vector_store %arg5[%swap3A_14, %swap3A_15], %max3A_13 {strides = array<i32>} : memref<1000x128xf32, #tpu.memory_space<vmem>>, vector<1000x128xf32>,
    return
  }
  func.func @transform_0(%arg0: i32) -> (i32, i32) {
    %c0_i32 = arith.constant 0 : i32
    %c0_i32_0 = arith.constant 0 : i32
    return %arg0, %c0_i32 : i32, i32
  }
  func.func @transform_1(%arg0: i32) -> (i32, i32) {
    %c0_i32 = arith.constant 0 : i32
    %c0_i32_0 = arith.constant 0 : i32
    %c0_i32_1 = arith.constant 0 : i32
    return %c0_i32, %c0_i32_0 : i32, i32
  }
  func.func @transform_2(%arg0: i32) -> (i32, i32) {
    %c0_i32 = arith.constant 0 : i32
    %c0_i32_0 = arith.constant 0 : i32
    %c0_i32_1 = arith.constant 0 : i32
    return %c0_i32, %c0_i32_0 : i32, i32
  }
  func.func @transform_3(%arg0: i32) -> (i32, i32) {
    %c0_i32 = arith.constant 0 : i32
    %c0_i32_0 = arith.constant 0 : i32
    return %arg0, %c0_i32 : i32, i32
  }
  func.func @transform_4(%arg0: i32) -> (i32, i32) {
    %c0_i32 = arith.constant 0 : i32
    %c0_i32_0 = arith.constant 0 : i32
    return %arg0, %c0_i32 : i32, i32
  }
}

module attributes {stable_mosaic.version = 14 : i64} {
  func.func @_tc2_body(%arg0: i32, %arg1: memref<1000x128xf32, #tpu.memory_space<vmem>>, %arg2: memref<1000x128xf32, #tpu.memory_space<vmem>>, %arg3: memref<1000x128xf32, #tpu.memory_space<vmem>>, %arg4: memref<128x128xf32, #tpu.memory_space<vmem>>, %arg5: memref<1x128xf32, #tpu.memory_space<vmem>>, %arg6: memref<128x128xf32, #tpu.memory_space<vmem>>, %arg7: memref<128x64xf32, #tpu.memory_space<vmem>>, %arg8: memref<1000x64xf32, #tpu.memory_space<vmem>>) attributes {dimension_semantics = [#tpu.dimension_semantics<arbitrary>], iteration_bounds = array<i64: 10>, scalar_prefetch = 0 : i64, scratch_operands = 0 : i64, tpu.core_type = #tpu.core_type<tc>, window_params = [{transform_indices = @transform_0, window_bounds = array<i64: 1000, 128>}, {transform_indices = @transform_1, window_bounds = array<i64: 1000, 128>}, {transform_indices = @transform_2, window_bounds = array<i64: 1000, 128>}, {pipeline_mode = #tpu.pipeline_mode<synchronous>, transform_indices = @transform_3, window_bounds = array<i64: 128, 128>}, {pipeline_mode = #tpu.pipeline_mode<synchronous>, transform_indices = @transform_4, window_bounds = array<i64: 1, 128>}, {pipeline_mode = #tpu.pipeline_mode<synchronous>, transform_indices = @transform_5, window_bounds = array<i64: 128, 128>}, {pipeline_mode = #tpu.pipeline_mode<synchronous>, transform_indices = @transform_6, window_bounds = array<i64: 128, 64>}, {transform_indices = @transform_7, window_bounds = array<i64: 1000, 64>}]} {
    %get3A = arith.constant 0 : index
    %get3A_0 = arith.constant 0 : index
    %get3A_1 = vector.load %arg2[%get3A, %get3A_0] : memref<1000x128xf32, #tpu.memory_space<vmem>>, vector<1000x1xf32>
    %max3A = arith.constant 1.000000e+00 : f32
    %max3A_2 = vector.broadcast %max3A : f32 to vector<1000x1xf32>
    %max3A_3 = arith.maximumf %get3A_1, %max3A_2 : vector<1000x1xf32>
    %get3A_4 = arith.constant 0 : index
    %get3A_5 = arith.constant 0 : index
    %get3A_6 = vector.load %arg1[%get3A_4, %get3A_5] : memref<1000x128xf32, #tpu.memory_space<vmem>>, vector<1000x128xf32>
    %div3A = vector.broadcast %max3A_3 : vector<1000x1xf32> to vector<1000x128xf32>
    %div3A_7 = arith.divf %get3A_6, %div3A : vector<1000x128xf32>
    %get3A_8 = arith.constant 0 : index
    %get3A_9 = arith.constant 0 : index
    %get3A_10 = vector.load %arg3[%get3A_8, %get3A_9] : memref<1000x128xf32, #tpu.memory_space<vmem>>, vector<1000x128xf32>
    %get3A_11 = arith.constant 0 : index
    %get3A_12 = arith.constant 0 : index
    %get3A_13 = vector.load %arg4[%get3A_11, %get3A_12] : memref<128x128xf32, #tpu.memory_space<vmem>>, vector<128x128xf32>
    %dot_general3A = arith.constant dense<0.000000e+00> : vector<1000x128xf32>
    %dot_general3A_14 = tpu.matmul %div3A_7, %get3A_13, %dot_general3A {dimension_numbers = #tpu.dot_dimension_numbers<[1], [0], [0], [1], [0, 0, 1, 1], [], []>, transpose_lhs_hint = false} : vector<1000x128xf32>, vector<128x128xf32>, vector<1000x128xf32> -> vector<1000x128xf32>
    %get3A_15 = arith.constant 0 : index
    %get3A_16 = arith.constant 0 : index
    %get3A_17 = vector.load %arg5[%get3A_15, %get3A_16] : memref<1x128xf32, #tpu.memory_space<vmem>>, vector<1x128xf32>
    %add3A = vector.broadcast %get3A_17 : vector<1x128xf32> to vector<1000x128xf32>
    %add3A_18 = arith.addf %dot_general3A_14, %add3A : vector<1000x128xf32>
    %get3A_19 = arith.constant 0 : index
    %get3A_20 = arith.constant 0 : index
    %get3A_21 = vector.load %arg6[%get3A_19, %get3A_20] : memref<128x128xf32, #tpu.memory_space<vmem>>, vector<128x128xf32>
    %dot_general3A_22 = arith.constant dense<0.000000e+00> : vector<1000x128xf32>
    %dot_general3A_23 = tpu.matmul %get3A_10, %get3A_21, %dot_general3A_22 {dimension_numbers = #tpu.dot_dimension_numbers<[1], [0], [0], [1], [0, 0, 1, 1], [], []>, transpose_lhs_hint = false} : vector<1000x128xf32>, vector<128x128xf32>, vector<1000x128xf32> -> vector<1000x128xf32>
    %add3A_24 = arith.addf %add3A_18, %dot_general3A_23 : vector<1000x128xf32>
    %mul3A = arith.mulf %add3A_24, %add3A_24 : vector<1000x128xf32>
    %reduce_sum3A = arith.constant dense<0.000000e+00> : vector<1000xf32>
    %reduce_sum3A_25 = vector.multi_reduction <add>, %mul3A, %reduce_sum3A [1] : vector<1000x128xf32> to vector<1000xf32>
    %broadcast_in_dim3A = vector.shape_cast %reduce_sum3A_25 : vector<1000xf32> to vector<1000x1xf32>
    %sqrt3A = math.sqrt %broadcast_in_dim3A : vector<1000x1xf32>
    %max3A_26 = arith.constant 9.99999996E-13 : f32
    %max3A_27 = vector.broadcast %max3A_26 : f32 to vector<1000x1xf32>
    %max3A_28 = arith.maximumf %sqrt3A, %max3A_27 : vector<1000x1xf32>
    %div3A_29 = vector.broadcast %max3A_28 : vector<1000x1xf32> to vector<1000x128xf32>
    %div3A_30 = arith.divf %add3A_24, %div3A_29 : vector<1000x128xf32>
    %get3A_31 = arith.constant 0 : index
    %get3A_32 = arith.constant 0 : index
    %get3A_33 = vector.load %arg7[%get3A_31, %get3A_32] : memref<128x64xf32, #tpu.memory_space<vmem>>, vector<128x64xf32>
    %mul3A_34 = arith.mulf %get3A_33, %get3A_33 : vector<128x64xf32>
    %reduce_sum3A_35 = arith.constant dense<0.000000e+00> : vector<64xf32>
    %reduce_sum3A_36 = vector.multi_reduction <add>, %mul3A_34, %reduce_sum3A_35 [0] : vector<128x64xf32> to vector<64xf32>
    %broadcast_in_dim3A_37 = vector.shape_cast %reduce_sum3A_36 : vector<64xf32> to vector<1x64xf32>
    %sqrt3A_38 = math.sqrt %broadcast_in_dim3A_37 : vector<1x64xf32>
    %max3A_39 = arith.constant 9.99999996E-13 : f32
    %max3A_40 = vector.broadcast %max3A_39 : f32 to vector<1x64xf32>
    %max3A_41 = arith.maximumf %sqrt3A_38, %max3A_40 : vector<1x64xf32>
    %div3A_42 = vector.broadcast %max3A_41 : vector<1x64xf32> to vector<128x64xf32>
    %div3A_43 = arith.divf %get3A_33, %div3A_42 : vector<128x64xf32>
    %dot_general3A_44 = arith.constant dense<0.000000e+00> : vector<1000x64xf32>
    %dot_general3A_45 = tpu.matmul %div3A_30, %div3A_43, %dot_general3A_44 {dimension_numbers = #tpu.dot_dimension_numbers<[1], [0], [0], [1], [0, 0, 1, 1], [], []>, transpose_lhs_hint = false} : vector<1000x128xf32>, vector<128x64xf32>, vector<1000x64xf32> -> vector<1000x64xf32>
    %mul3A_46 = arith.constant 1.000000e+01 : f32
    %mul3A_47 = vector.broadcast %mul3A_46 : f32 to vector<1000x64xf32>
    %mul3A_48 = arith.mulf %mul3A_47, %dot_general3A_45 : vector<1000x64xf32>
    %swap3A = arith.constant 0 : index
    %swap3A_49 = arith.constant 0 : index
    %swap3A_50 = vector.load %arg8[%swap3A, %swap3A_49] : memref<1000x64xf32, #tpu.memory_space<vmem>>, vector<1000x64xf32>
    tpu.vector_store %arg8[%swap3A, %swap3A_49], %mul3A_48 {strides = array<i32>} : memref<1000x64xf32, #tpu.memory_space<vmem>>, vector<1000x64xf32>,
    return
  }
  func.func @transform_0(%arg0: i32) -> (i32, i32) {
    %c0_i32 = arith.constant 0 : i32
    %c0_i32_0 = arith.constant 0 : i32
    return %arg0, %c0_i32 : i32, i32
  }
  func.func @transform_1(%arg0: i32) -> (i32, i32) {
    %c0_i32 = arith.constant 0 : i32
    %c0_i32_0 = arith.constant 0 : i32
    return %arg0, %c0_i32 : i32, i32
  }
  func.func @transform_2(%arg0: i32) -> (i32, i32) {
    %c0_i32 = arith.constant 0 : i32
    %c0_i32_0 = arith.constant 0 : i32
    return %arg0, %c0_i32 : i32, i32
  }
  func.func @transform_3(%arg0: i32) -> (i32, i32) {
    %c0_i32 = arith.constant 0 : i32
    %c0_i32_0 = arith.constant 0 : i32
    %c0_i32_1 = arith.constant 0 : i32
    return %c0_i32, %c0_i32_0 : i32, i32
  }
  func.func @transform_4(%arg0: i32) -> (i32, i32) {
    %c0_i32 = arith.constant 0 : i32
    %c0_i32_0 = arith.constant 0 : i32
    %c0_i32_1 = arith.constant 0 : i32
    return %c0_i32, %c0_i32_0 : i32, i32
  }
  func.func @transform_5(%arg0: i32) -> (i32, i32) {
    %c0_i32 = arith.constant 0 : i32
    %c0_i32_0 = arith.constant 0 : i32
    %c0_i32_1 = arith.constant 0 : i32
    return %c0_i32, %c0_i32_0 : i32, i32
  }
  func.func @transform_6(%arg0: i32) -> (i32, i32) {
    %c0_i32 = arith.constant 0 : i32
    %c0_i32_0 = arith.constant 0 : i32
    %c0_i32_1 = arith.constant 0 : i32
    return %c0_i32, %c0_i32_0 : i32, i32
  }
  func.func @transform_7(%arg0: i32) -> (i32, i32) {
    %c0_i32 = arith.constant 0 : i32
    %c0_i32_0 = arith.constant 0 : i32
    return %arg0, %c0_i32 : i32, i32
  }
}

</mosaic_0001>

<sc_bundles>
// kernel: kernel.5.cloned.1.call-start
scs
__scs_entry_jumppad:
0x0: {  	(pc) =	sbr.rel $0x88, $3  }
0x1: {  	(tag) =	ssettag $0x0;
	lr =	simm.s32 $0x1  }
0x2: {  	[smem:$0x3F99] =	sst lr;
	_ =	strace $0xD0000000  }
0x3: {  	_ = 	snop  }
0x4: {  	_ = 	snop  }
0x5: {  	_ = 	snop  }
0x6: {  	_ = 	snop  }
0x7: {  	_ = 	snop  }
__scs_overlays_trampoline_lowered:
0x8: {  	[smem:$0x3FA8] =	sst s0  }
0x9: {  	[smem:$0x3FA9] =	sst s1  }
0xa: {  	[smem:$0x3FAA] =	sst s2  }
0xb: {  	[smem:$0x3FAB] =	sst s3  }
0xc: {  	[smem:$0x3FAC] =	sst s4  }
0xd: {  	[smem:$0x3FAD] =	sst s5  }
0xe: {  	[smem:$0x3FAE] =	sst s6  }
0xf: {  	[smem:$0x3FAF] =	sst s7  }
0x10: {  	[smem:$0x3FB0] =	sst s8  }
0x11: {  	[smem:$0x3FB1] =	sst s9;
	s0 =	simm.s32 @!p0 $0x0  }
0x12: {  	s1 =	sld [smem:$0x3F97];
	s0 =	simm.s32 @p0 $0x1  }
0x13: {  	[smem:$0x3FB2] =	sst s0;
	s0 =	simm.s32 @!p1 $0x0  }
0x14: {  	s2 =	sld [smem:$0x3F96];
	s0 =	simm.s32 @p1 $0x1  }
0x15: {  	[smem:$0x3FB3] =	sst s0;
	s0 =	simm.s32 @!p2 $0x0  }
0x16: {  	s3 =	sld [smem:$0x3FDB];
	s0 =	simm.s32 @p2 $0x1  }
0x17: {  	s4 =	simm.s32 $0x1BF5;
	[smem:$0x3FB5] =	sst s0  }
0x18: {  	s0 =	sld [smem:$0x3F98];
	_ =	swait.ge [sflag:s4], $0x0  }
0x19: {  	s7 =	sld [smem:$0x3F99]  }
0x1a: {  	s8 =	sadd.s32 $0xFFFFE003, lr  }
0x1b: {  	s9 =	sadd.s32 $0xFFFFFEF7, lr;
	s5 =	simm.s32 $0xFFFFFFFF;
	p2 =	slt.u32 s8, $0xFFFFF086  }
0x1c: {  	p1 =	slt.u32 s9, $0xF7A;
	s5 =	simm.s32 @!p2 $0x0  }
0x1d: {  	s5 =	simm.s32 @p1 $0x1;
	p0 =	seq.s32 s7, s2  }
0x1e: {  	s7 =	smul.u32 @!p0 $0xF7A, s2;
	p2 =	seq.s32 @!p0 s5, $0x0  }
0x1f: {  	s9 =	smul.u32 $0xF7A, s1;
	s8 =	simm.s32 @!p0 $0x1BF5;
	p2 =	por !p2, p0  }
0x20: {  	[sflag:s8] =	ssyncset.s32 @!p0 $0xFFFFF086;
	s6 =	sadd.s32 @!p0 s3, s7;
	s7 =	simm.s32 @!p0 $0x108  }
0x21: {  	s3 =	sadd.s32 s3, s9;
	s6 =	sadd.s32 @!p0 $0x88, s6;
	s7 =	simm.s32 @p2 $0x1082  }
0x22: {  	[simem:s7], [sflag:s8] =	dma.local @!p0 [hbm:s6], $0xF7A  }
0x23: {  	s9 =	sor.u32 $0xD0000000, s2;
	s6 =	simm.s32 $0x108;
	_ =	swait.ge @!p0 [sflag:s8], $0x0  }
0x24: {  	s3 =	sadd.s32 $0x88, s3;
	s6 =	simm.s32 @!p1 $0x1082;
	[sflag:s4] =	ssyncset.s32 $0xFFFFF086  }
0x25: {  	[simem:s6], [sflag:s4] =	dma.local [hbm:s3], $0xF7A  }
0x26: {  	[smem:$0x3F99] =	sst s1;
	(tag) =	ssettag s2;
	_ =	strace s9  }
0x27: {  	s1 =	sld [smem:$0x3FA9]  }
0x28: {  	s2 =	sld [smem:$0x3FAA]  }
0x29: {  	s4 =	sld [smem:$0x3FAC]  }
0x2a: {  	p0 =	seq.s32 s5, $0x0;
	s5 =	sld [smem:$0x3FAD]  }
0x2b: {  	s6 =	sld [smem:$0x3FAE]  }
0x2c: {  	s7 =	sld [smem:$0x3FAF]  }
0x2d: {  	s3 =	simm.s32 $0x108;
	s8 =	sld [smem:$0x3FB0]  }
0x2e: {  	s3 =	simm.s32 @!p0 $0x1082;
	s9 =	sld [smem:$0x3FB1]  }
0x2f: {  	lr =	sadd.s32 s0, s3;
	s0 =	sld [smem:$0x3FA8]  }
0x30: {  	s3 =	sld [smem:$0x3FAB]  }
0x31: {  	[smem:$0x3FB4] =	sst s10  }
0x32: {  	s10 =	sld [smem:$0x3FB2];
	_ =	sdelay $0x3  }
0x33: {  	p0 =	seq.s32 s10, $0x1;
	s10 =	sld [smem:$0x3FB4];
	_ =	sdelay $0x3  }
0x34: {  	[smem:$0x3FB4] =	sst s10  }
0x35: {  	s10 =	sld [smem:$0x3FB3];
	_ =	sdelay $0x3  }
0x36: {  	p1 =	seq.s32 s10, $0x1;
	s10 =	sld [smem:$0x3FB4];
	_ =	sdelay $0x3  }
0x37: {  	[smem:$0x3FB4] =	sst s10  }
0x38: {  	s10 =	sld [smem:$0x3FB5]  }
0x39: {  	_ = 	snop;
	(pc) =	sbr.ind lr, $3  }
0x3a: {  	_ = 	snop  }
0x3b: {  	_ = 	snop  }
0x3c: {  	p2 =	seq.s32 s10, $0x1;
	s10 =	sld [smem:$0x3FB4]  }
0x3d: {  	_ =	shalt  }
0x3e: {  	_ =	shalt  }
0x3f: {  	_ =	shalt  }
0x40: {  	_ =	shalt  }
0x41: {  	_ =	shalt  }
0x42: {  	_ =	shalt  }
0x43: {  	_ =	shalt  }
0x44: {  	_ =	shalt  }
0x45: {  	_ =	shalt  }
0x46: {  	_ =	shalt  }
0x47: {  	_ =	shalt  }
0x48: {  	_ =	shalt  }
0x49: {  	_ =	shalt  }
0x4a: {  	_ =	shalt  }
0x4b: {  	_ =	shalt  }
0x4c: {  	_ =	shalt  }
0x4d: {  	_ =	shalt  }
0x4e: {  	_ =	shalt  }
0x4f: {  	_ =	shalt  }
0x50: {  	_ =	shalt  }
0x51: {  	_ =	shalt  }
0x52: {  	_ =	shalt  }
0x53: {  	_ =	shalt  }
0x54: {  	_ =	shalt  }
0x55: {  	_ =	shalt  }
0x56: {  	_ =	shalt  }
0x57: {  	_ =	shalt  }
0x58: {  	_ =	shalt  }
0x59: {  	_ =	shalt  }
0x5a: {  	_ =	shalt  }
0x5b: {  	_ =	shalt  }
0x5c: {  	_ =	shalt  }
0x5d: {  	_ =	shalt  }
0x5e: {  	_ =	shalt  }
0x5f: {  	_ =	shalt  }
0x60: {  	_ =	shalt  }
0x61: {  	_ =	shalt  }
0x62: {  	_ =	shalt  }
0x63: {  	_ =	shalt  }
0x64: {  	_ =	shalt  }
0x65: {  	_ =	shalt  }
0x66: {  	_ =	shalt  }
0x67: {  	_ =	shalt  }
0x68: {  	_ =	shalt  }
0x69: {  	_ =	shalt  }
0x6a: {  	_ =	shalt  }
0x6b: {  	_ =	shalt  }
0x6c: {  	_ =	shalt  }
0x6d: {  	_ =	shalt  }
0x6e: {  	_ =	shalt  }
0x6f: {  	_ =	shalt  }
0x70: {  	_ =	shalt  }
0x71: {  	_ =	shalt  }
0x72: {  	_ =	shalt  }
0x73: {  	_ =	shalt  }
0x74: {  	_ =	shalt  }
0x75: {  	_ =	shalt  }
0x76: {  	_ =	shalt  }
0x77: {  	_ =	shalt  }
0x78: {  	_ =	shalt  }
0x79: {  	_ =	shalt  }
0x7a: {  	_ =	shalt  }
0x7b: {  	_ =	shalt  }
0x7c: {  	_ =	shalt  }
0x7d: {  	_ =	shalt  }
0x7e: {  	_ =	shalt  }
0x7f: {  	_ =	shalt  }
0x80: {  	_ =	shalt  }
0x81: {  	_ =	shalt  }
0x82: {  	_ =	shalt  }
0x83: {  	_ =	shalt  }
0x84: {  	_ =	shalt  }
0x85: {  	_ =	shalt  }
0x86: {  	_ =	shalt  }
0x87: {  	_ =	shalt  }
.Lfunc_end0:
.L_simem_size_0:
called_computation_lowered:
.L_overlay_start_0:
0x88: {  	s2 =	sld [smem:$0x3FD9]  }
0x89: {  	s3 =	sld [smem:$0x3FFE];
	_ =	sdelay $0x1  }
0x8a: {  	s1 =	srdreg.scid  }
0x8b: {  	s0 =	sand.u32 $0x1, s1  }
0x8c: {  	s14 =	sshll.u32 s0, $0xA;
	s2 =	sadd.s32 s3, s2  }
0x8d: {  	s2 =	sadd.s32 s2, s14  }
0x8e: {  	[smem:$0x3FC0] =	sst s2  }
0x8f: {  	_ = 	snop  }
0x90: {  	s2 =	sld [smem:$0x3FD0];
	_ =	sdelay $0x2  }
0x91: {  	s15 =	simm.s32 $0xA;
	s4 =	simm.s32 $0x10  }
0x92: {  	[smem:s4], [sflag:s15] =	dma.local [hbm:s2], $0x1  }
0x93: {  	_ =	swait.eq [sflag:s15], $0x1  }
0x94: {  	[sflag:s15] =	ssyncset.done $0x0  }
0x95: {  	[sflag:s15] =	ssyncadd.s32 $0xFFFFFFFF  }
0x96: {  	s16 =	sld [smem:$0x11];
	(tm) =	ssettm $0x1  }
0x97: {  	s17 =	sld [smem:$0x3FFB];
	_ =	sdelay $0x3  }
0x98: {  	_ =	strace s17  }
0x99: {  	s3 =	sld [smem:$0x3FFC];
	_ =	sdelay $0x3  }
0x9a: {  	_ =	strace s3  }
0x9b: {  	s3 =	sld [smem:$0x3FFD];
	_ =	sdelay $0x3  }
0x9c: {  	_ =	strace s3  }
0x9d: {  	_ =	strace $0x8FFFFFFF  }
0x9e: {  	s18 =	sld [smem:$0x3FDB];
	_ =	sdelay $0x1  }
0x9f: {  	s19 =	simm.s32 $_scs_section_size  }
0xa0: {  	s5 =	simm.s32 $_size__tile_overlayer_lowered;
	s6 =	simm.s32 $_tile_overlayer_lowered  }
0xa1: {  	s22 =	simm.s32 $0x1BFF;
	s21 =	sshll.u32 s6, $0x1;
	s3 =	sadd.s32 s19, s18  }
0xa2: {  	s7 =	simm.s32 $0x0;
	s20 =	sshll.u32 s5, $0x1;
	s5 =	sadd.s32 s21, s3  }
0xa3: {  	[timem:s7], [sflag:s22] =	dma.local [hbm:s5], s20  }
0xa4: {  	_ =	swait.ge [sflag:s22], s20  }
0xa5: {  	s4 =	ssub.s32 $0x0, s20;
	[sflag:s22] =	ssyncset.done $0x0  }
0xa6: {  	[sflag:s22] =	ssyncadd.s32 s4;
	_ =	sdelay $0x1  }
0xa7: {  	s23 =	simm.s32 $0x1B8B  }
0xa8: {  	_ =	swait.ge [sflag:s23], $0x1  }
0xa9: {  	[sflag:s23] =	ssyncset.done $0x0  }
0xaa: {  	s25 =	simm.s32 $0x1B8E;
	s24 =	sld [smem:$0x3FFE];
	[sflag:s23] =	ssyncadd.s32 $0xFFFFFFFF  }
0xab: {  	s26 =	simm.s32 $execute0_lowered;
	[smem:$0x3FD2] =	sst s25  }
0xac: {  	s5 =	sshll.u32 s26, $0x1;
	_ =	strace $0x80000046;
	[dreg:$0x1] =	wrdreg $0xFFFFFFFF  }
0xad: {  	s28 =	simm.s32 $_size_execute0_lowered;
	s3 =	sadd.s32 s3, s5;
	[dreg:$0x0] =	wrdreg $0x0  }
0xae: {  	s5 =	sshll.u32 s28, $0x1;
	[dreg:$0x2] =	wrdreg s3  }
0xaf: {  	[dreg:$0x3] =	wrdreg s5  }
0xb0: {  	[dreg:$0x4] =	wrdreg $0xC0  }
0xb1: {  	_ =	task [dreg:s7], $0x5FFFF  }
0xb2: {  	[dreg:$0x1] =	wrdreg $0xFFFFFFFF  }
0xb3: {  	[dreg:$0x0] =	wrdreg $0x60  }
0xb4: {  	[dreg:$0x2] =	wrdreg s24  }
0xb5: {  	[dreg:$0x3] =	wrdreg s16  }
0xb6: {  	[dreg:$0x4] =	wrdreg $0xA4000  }
0xb7: {  	[dreg:$0x5] =	wrdreg $0x9  }
0xb8: {  	_ =	task.clear_ibuf [dreg:s7], $0x6FFFF;
	_ =	strace $0x90000046  }
0xb9: {  	s29 =	simm.s32 $0x9;
	_ =	strace $0x80000048  }
0xba: {  	_ =	swait.ge [sflag:s29], $0x1  }
0xbb: {  	[sflag:s29] =	ssyncadd.s32 $0xFFFFFFFF  }
0xbc: {  	_ =	strace $0x90000048  }
0xbd: {  	_ =	sfence  }
0xbe: {  	s30 =	sld [smem:$0x0];
	_ =	sdelay $0x2  }
0xbf: {  	s31 =	sshll.u32 s1, $0xD;
	s1 =	sshrl.u32 s1, $0x2  }
0xc0: {  	s3 =	sand.u32 $0x4000, s31;
	s1 =	sadd.s32 s1, s30  }
0xc1: {  	s0 =	sor.u32 s3, s0;
	s1 =	sshll.u32 s1, $0x11  }
0xc2: {  	s0 =	sor.u32 s1, s0  }
0xc3: {  	s0 =	sadd.s32 $0x8F2B, s0  }
0xc4: {  	[sflag:s0] =	ssyncadd.remote.s32 $0x1  }
0xc5: {  	_ =	sfence.sel $0xFFFF  }
0xc6: {  	[dreg:$0x0] =	wrdreg $0xFFFFFFFF;
	(pc) =	sbr.abs _section_cstart, $3  }
0xc7: {  	[dreg:$0x1] =	wrdreg $0xFFFFFFFF  }
0xc8: {  	_ =	task.clear_ibuf [dreg:s7], $0x2FFFF;
	_ =	strace $0x9FFFFFFF  }
0xc9: {  	(tm) =	ssettm $0x7FFFFFFF  }
tec
execute0_lowered:
.L_overlay_start_1:
0x0: {  	(tag) =	ssettag $0x1  }
0x1: {  	s0 =	rddreg [dreg:$0x0]  }
0x2: {  	s1 =	rddreg [dreg:$0x1];
	s11 =	stileid.u32  }
0x3: {  	s2 =	rddreg [dreg:$0x2];
	s7 =	smul.u32 $0x9D8, s11  }
0x4: {  	s4 =	srdreg.scid;
	s3 =	simm.s32 $0x0;
	s25 =	smul.u32 $0x280, s11  }
0x5: {  	s10 =	simm.s32 $0x32E00;
	s5 =	sand.u32 $0x1, s4;
	s26 =	smul.u32 $0x50000, s11  }
0x6: {  	[smem:$0x7FF] =	sst s3;
	s4 =	sadd.s32 $0xBC00, s0;
	s11 =	smul.u32 $0x2800, s11  }
0x7: {  	s6 =	ssub.s32 $0x2, s5;
	_ =	strace $0x80000047;
	p0 =	seq.s32 s5, $0x0  }
0x8: {  	s8 =	sshrl.u32 s6, $0x1;
	s9 =	sadd.s32 s7, s0;
	s10 =	simm.s32 @!p0 $0x5AE00  }
0x9: {  	s5 =	sshrl.u32 s26, $0x2;
	s28 =	sor.u32 $0x50, s25;
	s17 =	sadd.s32 $0xA0, s25  }
0xa: {  	s18 =	sadd.s32 $0xF0, s25;
	s14 =	sadd.s32 $0x140, s25;
	s21 =	sadd.s32 $0x190, s25  }
0xb: {  	s22 =	sadd.s32 $0x1E0, s25;
	s6 =	ssub.s32 s6, s8;
	s0 =	sadd.s32 s10, s0  }
0xc: {  	s16 =	sshll.u32 s28, $0x4;
	s12 =	sshll.u32 s17, $0x4;
	s13 =	sshll.u32 s18, $0x4  }
0xd: {  	s20 =	sshll.u32 s14, $0x4;
	s15 =	sshll.u32 s21, $0x4;
	s8 =	sadd.s32 $0x230, s25  }
0xe: {  	s26 =	sshll.u32 s28, $0x7;
	s10 =	sshll.u32 s18, $0x7;
	s18 =	sshll.u32 s22, $0x7  }
0xf: {  	s29 =	smax.u32 s6, $0x1;
	s6 =	sadd.s32 s5, s2;
	s30 =	sadd.s32 s0, s11  }
0x10: {  	s31 =	sadd.s32 s0, s16;
	s12 =	sadd.s32 s0, s12;
	s19 =	sadd.s32 s0, s13  }
0x11: {  	s16 =	sshll.u32 s22, $0x4;
	s15 =	sadd.s32 s0, s15;
	s24 =	sshll.u32 s8, $0x4  }
0x12: {  	s11 =	sshll.u32 s14, $0x7;
	s14 =	sadd.s32 s10, s2;
	[dreg:$0x5] =	wrdreg s12  }
0x13: {  	s5 =	simm.s32 $0x200;
	s10 =	simm.s32 $0x300;
	[dreg:$0x6] =	wrdreg s19  }
0x14: {  	s13 =	simm.s32 $0x1;
	s12 =	sadd.s32 s0, s20;
	[dreg:$0x8] =	wrdreg s15  }
0x15: {  	s23 =	sadd.s32 s0, s16;
	s0 =	sadd.s32 s0, s24;
	[dreg:$0xf] =	wrdreg s14  }
0x16: {  	s25 =	sadd.s32 $0x2800, s6;
	s16 =	sadd.s32 s7, s1;
	[dreg:$0x4] =	wrdreg s31  }
0x17: {  	s28 =	sadd.s32 $0x5000, s6;
	s7 =	sshll.u32 s17, $0x7;
	[dreg:$0x7] =	wrdreg s12  }
0x18: {  	s15 =	sadd.s32 s11, s2;
	s17 =	sshll.u32 s21, $0x7;
	[dreg:$0x9] =	wrdreg s23  }
0x19: {  	s19 =	sshll.u32 s8, $0x7;
	s20 =	sadd.s32 s18, s2;
	[dreg:$0xa] =	wrdreg s0  }
0x1a: {  	s22 =	sadd.s32 $0x7800, s6;
	s24 =	sadd.s32 $0xC800, s6;
	[dreg:$0xb] =	wrdreg s25  }
0x1b: {  	s1 =	simm.s32 $0x4;
	s8 =	simm.s32 $0x280;
	[dreg:$0xc] =	wrdreg s28  }
0x1c: {  	s11 =	simm.s32 $0x180;
	s14 =	simm.s32 $0x50;
	[dreg:$0x10] =	wrdreg s15  }
0x1d: {  	s18 =	simm.s32 $0x7C00;
	s0 =	sadd.s32 s26, s2;
	[dreg:$0x12] =	wrdreg s20  }
0x1e: {  	s21 =	sadd.s32 s19, s2;
	s25 =	sadd.s32 $0x1E00, s9;
	[dreg:$0x14] =	wrdreg s22  }
0x1f: {  	s23 =	sadd.s32 $0xA000, s6;
	[dreg:$0x16] =	wrdreg s24;
	s26 =	sadd.s32 $0xF000, s6  }
0x20: {  	s28 =	sadd.s32 $0x11800, s6;
	s9 =	simm.s32 $0x100;
	[dreg:$0xd] =	wrdreg s0  }
0x21: {  	s12 =	simm.s32 $0x380;
	s15 =	simm.s32 $0x2C00;
	[dreg:$0x13] =	wrdreg s21  }
.Ltmp0:
0x22: {  	s19 =	simm.s32 $0x2;
	[dreg:$0x15] =	wrdreg s23;
	(pc) =	sbr.rel .LBB2_1-.Ltmp0, $4  }
0x23: {  	s20 =	simm.s32 $0x3;
	s22 =	simm.s32 $0x0;
	[dreg:$0x17] =	wrdreg s26  }
0x24: {  	s0 =	sadd.s32 s7, s2;
	[dreg:$0x18] =	wrdreg s28;
	s7 =	simm.s32 $0x80  }
0x25: {  	s21 =	simm.s32 $0x5;
	[dreg:$0xe] =	wrdreg s0;
	s0 =	sadd.s32 s17, s2  }
0x26: {  	v0 =	vimm.f32 $0.0e+00;
	v1 =	vimm.f32 $1.000000000e+00;
	s17 =	simm.s32 $0x5400;
	[dreg:$0x11] =	wrdreg s0;
	s0 =	simm.s32 $0x400  }
.LBB2_8:
0x27: {  	s23 =	sadd.s32 s23, s25;
	[sflag:s20] =	ssyncadd.s32 $0xFFFFD800  }
0x28: {  	[tilespmem:s5], [sflag:$0x1] =	stream.linear.gather [hbm4b:s23+s3], $0x50, $0x38;
	[tilespmem:$0x1E400] =	vst v63  }
0x29: {  	s24 =	sadd.s32 $0xA, s23  }
0x2a: {  	[tilespmem:s8], [sflag:$0x1] =	stream.linear.gather [hbm4b:s24+s3], $0x50, $0x38;
	[tilespmem:$0x1E400] =	vst v63  }
0x2b: {  	s28 =	sadd.s32 $0x14, s23  }
0x2c: {  	[tilespmem:s10], [sflag:$0x1] =	stream.linear.gather [hbm4b:s28+s3], $0x50, $0x38;
	[tilespmem:$0x1E400] =	vst v63  }
0x2d: {  	s23 =	sadd.s32 $0x1E, s23  }
0x2e: {  	[tilespmem:s12], [sflag:$0x1] =	stream.linear.gather [hbm4b:s23+s3], $0x50, $0x38;
	[tilespmem:$0x1E400] =	vst v63  }
0x2f: {  	_ =	swait.ge [sflag:s13], $0x50  }
0x30: {  	[sflag:s13] =	ssyncset.done $0x0  }
0x31: {  	[sflag:s13] =	ssyncadd.s32 $0xFFFFFFB0  }
0x32: {  	_ =	swait.ge [sflag:s13], $0x50  }
0x33: {  	[sflag:s13] =	ssyncset.done $0x0  }
0x34: {  	[sflag:s13] =	ssyncadd.s32 $0xFFFFFFB0  }
0x35: {  	_ =	swait.ge [sflag:s13], $0x50  }
0x36: {  	[sflag:s13] =	ssyncset.done $0x0  }
0x37: {  	[sflag:s13] =	ssyncadd.s32 $0xFFFFFFB0  }
0x38: {  	_ =	swait.ge [sflag:s13], $0x50  }
0x39: {  	[sflag:s13] =	ssyncset.done $0x0  }
0x3a: {  	[sflag:s13] =	ssyncadd.s32 $0xFFFFFFB0  }
0x3b: {  	[spmem:s2] =	stream.indirect.scatter.add.f32 [tilespmem:s0], [sflag:$0x3], $0x80, s5, s14, $0xb8;
	[tilespmem:$0x1E400] =	vst v63  }
0x3c: {  	_ = 	snop  }
0x3d: {  	[spmem:s2] =	stream.indirect.scatter.add.f32 [tilespmem:s0], [sflag:$0x3], $0x80, s8, s14, $0xb8;
	[tilespmem:$0x1E400] =	vst v63  }
0x3e: {  	_ = 	snop  }
0x3f: {  	[spmem:s2] =	stream.indirect.scatter.add.f32 [tilespmem:s0], [sflag:$0x3], $0x80, s10, s14, $0xb8;
	[tilespmem:$0x1E400] =	vst v63  }
0x40: {  	_ = 	snop  }
0x41: {  	[spmem:s2] =	stream.indirect.scatter.add.f32 [tilespmem:s0], [sflag:$0x3], $0x80, s12, s14, $0xb8;
	[tilespmem:$0x1E400] =	vst v63  }
0x42: {  	_ =	swait.ge [sflag:s20], $0x2800  }
0x43: {  	[sflag:s20] =	ssyncset.done $0x0  }
0x44: {  	[sflag:s20] =	ssyncadd.s32 $0xFFFFD800  }
0x45: {  	_ =	swait.ge [sflag:s20], $0x2800  }
0x46: {  	[sflag:s20] =	ssyncset.done $0x0  }
0x47: {  	[sflag:s20] =	ssyncadd.s32 $0xFFFFD800  }
0x48: {  	_ =	swait.ge [sflag:s20], $0x2800  }
0x49: {  	[sflag:s20] =	ssyncset.done $0x0  }
0x4a: {  	[sflag:s20] =	ssyncadd.s32 $0xFFFFD800  }
0x4b: {  	_ =	swait.ge [sflag:s20], $0x2800  }
0x4c: {  	[sflag:s20] =	ssyncset.done $0x0  }
0x4d: {  	[sflag:s20] =	ssyncadd.s32 $0xFFFFD800  }
.LBB2_12:
0x4e: {  	[bflag:$0x0] =	sbarrier.arrive $0xFFFF  }
0x4f: {  	[tilespmem:s0], [sflag:$0x5] =	stream.linear.gather [spmem:s6], $0x2800, $0x38;
	[tilespmem:$0x1E400] =	vst v63  }
0x50: {  	_ =	swait.ge [sflag:s21], $0x2800  }
0x51: {  	s23 =	simm.s32 $0x5;
	[sflag:s21] =	ssyncset.done $0x0  }
0x52: {  	s23 =	simm.s32 @!p0 $0x4;
	[sflag:s21] =	ssyncadd.s32 $0xFFFFD800  }
0x53: {  	[hbm4b:s30+s3] =	stream.linear.scatter [tilespmem:s0], [sflag:s23], $0x2800, $0x38;
	[tilespmem:$0x1E400] =	vst v63  }
0x54: {  	_ =	swait.ge [sflag:s23], $0x2800  }
0x55: {  	[sflag:s23] =	ssyncset.done $0x0  }
0x56: {  	s24 =	rddreg [dreg:$0xd];
	[sflag:s23] =	ssyncadd.s32 $0xFFFFD800  }
0x57: {  	[tilespmem:s0], [sflag:$0x5] =	stream.linear.gather [spmem:s24], $0x2800, $0x38;
	[tilespmem:$0x1E400] =	vst v63  }
0x58: {  	_ =	swait.ge [sflag:s21], $0x2800  }
0x59: {  	[sflag:s21] =	ssyncset.done $0x0  }
0x5a: {  	[sflag:s21] =	ssyncadd.s32 $0xFFFFD800  }
0x5b: {  	[hbm4b:s31+s3] =	stream.linear.scatter [tilespmem:s0], [sflag:s23], $0x2800, $0x38;
	[tilespmem:$0x1E400] =	vst v63  }
0x5c: {  	_ =	swait.ge [sflag:s23], $0x2800  }
0x5d: {  	[sflag:s23] =	ssyncset.done $0x0  }
0x5e: {  	s26 =	rddreg [dreg:$0xe];
	[sflag:s23] =	ssyncadd.s32 $0xFFFFD800  }
0x5f: {  	[tilespmem:s0], [sflag:$0x5] =	stream.linear.gather [spmem:s26], $0x2800, $0x38;
	[tilespmem:$0x1E400] =	vst v63  }
0x60: {  	_ =	swait.ge [sflag:s21], $0x2800  }
0x61: {  	[sflag:s21] =	ssyncset.done $0x0  }
0x62: {  	s28 =	rddreg [dreg:$0x5];
	[sflag:s21] =	ssyncadd.s32 $0xFFFFD800  }
0x63: {  	[hbm4b:s28+s3] =	stream.linear.scatter [tilespmem:s0], [sflag:s23], $0x2800, $0x38;
	[tilespmem:$0x1E400] =	vst v63  }
0x64: {  	_ =	swait.ge [sflag:s23], $0x2800  }
0x65: {  	[sflag:s23] =	ssyncset.done $0x0  }
0x66: {  	s26 =	rddreg [dreg:$0xf];
	[sflag:s23] =	ssyncadd.s32 $0xFFFFD800  }
0x67: {  	[tilespmem:s0], [sflag:$0x5] =	stream.linear.gather [spmem:s26], $0x2800, $0x38;
	[tilespmem:$0x1E400] =	vst v63  }
0x68: {  	_ =	swait.ge [sflag:s21], $0x2800  }
0x69: {  	[sflag:s21] =	ssyncset.done $0x0  }
0x6a: {  	s28 =	rddreg [dreg:$0x6];
	[sflag:s21] =	ssyncadd.s32 $0xFFFFD800  }
0x6b: {  	[hbm4b:s28+s3] =	stream.linear.scatter [tilespmem:s0], [sflag:s23], $0x2800, $0x38;
	[tilespmem:$0x1E400] =	vst v63  }
0x6c: {  	_ =	swait.ge [sflag:s23], $0x2800  }
0x6d: {  	[sflag:s23] =	ssyncset.done $0x0  }
0x6e: {  	s26 =	rddreg [dreg:$0x10];
	[sflag:s23] =	ssyncadd.s32 $0xFFFFD800  }
0x6f: {  	[tilespmem:s0], [sflag:$0x5] =	stream.linear.gather [spmem:s26], $0x2800, $0x38;
	[tilespmem:$0x1E400] =	vst v63  }
0x70: {  	_ =	swait.ge [sflag:s21], $0x2800  }
0x71: {  	[sflag:s21] =	ssyncset.done $0x0  }
0x72: {  	s28 =	rddreg [dreg:$0x7];
	[sflag:s21] =	ssyncadd.s32 $0xFFFFD800  }
0x73: {  	[hbm4b:s28+s3] =	stream.linear.scatter [tilespmem:s0], [sflag:s23], $0x2800, $0x38;
	[tilespmem:$0x1E400] =	vst v63  }
0x74: {  	_ =	swait.ge [sflag:s23], $0x2800  }
0x75: {  	[sflag:s23] =	ssyncset.done $0x0  }
0x76: {  	s26 =	rddreg [dreg:$0x11];
	[sflag:s23] =	ssyncadd.s32 $0xFFFFD800  }
0x77: {  	[tilespmem:s0], [sflag:$0x5] =	stream.linear.gather [spmem:s26], $0x2800, $0x38;
	[tilespmem:$0x1E400] =	vst v63  }
0x78: {  	_ =	swait.ge [sflag:s21], $0x2800  }
0x79: {  	[sflag:s21] =	ssyncset.done $0x0  }
0x7a: {  	s28 =	rddreg [dreg:$0x8];
	[sflag:s21] =	ssyncadd.s32 $0xFFFFD800  }
0x7b: {  	[hbm4b:s28+s3] =	stream.linear.scatter [tilespmem:s0], [sflag:s23], $0x2800, $0x38;
	[tilespmem:$0x1E400] =	vst v63  }
0x7c: {  	_ =	swait.ge [sflag:s23], $0x2800  }
0x7d: {  	[sflag:s23] =	ssyncset.done $0x0  }
0x7e: {  	s26 =	rddreg [dreg:$0x12];
	[sflag:s23] =	ssyncadd.s32 $0xFFFFD800  }
0x7f: {  	[tilespmem:s0], [sflag:$0x5] =	stream.linear.gather [spmem:s26], $0x2800, $0x38;
	[tilespmem:$0x1E400] =	vst v63  }
0x80: {  	_ =	swait.ge [sflag:s21], $0x2800  }
0x81: {  	[sflag:s21] =	ssyncset.done $0x0  }
0x82: {  	s28 =	rddreg [dreg:$0x9];
	[sflag:s21] =	ssyncadd.s32 $0xFFFFD800  }
0x83: {  	[hbm4b:s28+s3] =	stream.linear.scatter [tilespmem:s0], [sflag:s23], $0x2800, $0x38;
	[tilespmem:$0x1E400] =	vst v63  }
0x84: {  	_ =	swait.ge [sflag:s23], $0x2800  }
0x85: {  	[sflag:s23] =	ssyncset.done $0x0  }
0x86: {  	s26 =	rddreg [dreg:$0x13];
	[sflag:s23] =	ssyncadd.s32 $0xFFFFD800  }
0x87: {  	[tilespmem:s0], [sflag:$0x5] =	stream.linear.gather [spmem:s26], $0x2800, $0x38;
	[tilespmem:$0x1E400] =	vst v63  }
0x88: {  	s22 =	sadd.s32 $0x1, s22;
	_ =	swait.ge [sflag:s21], $0x2800  }
0x89: {  	p1 =	sne.s32 s22, s29;
	[sflag:s21] =	ssyncset.done $0x0  }
.Ltmp1:
0x8a: {  	s28 =	rddreg [dreg:$0xa];
	[sflag:s21] =	ssyncadd.s32 $0xFFFFD800;
	(pc) =	sbr.rel @!p1 .LBB2_13-.Ltmp1, $4  }
0x8b: {  	[hbm4b:s28+s3] =	stream.linear.scatter [tilespmem:s0], [sflag:s23], $0x2800, $0x38;
	[tilespmem:$0x1E400] =	vst v63  }
0x8c: {  	_ =	swait.ge [sflag:s23], $0x2800  }
0x8d: {  	[sflag:s23] =	ssyncset.done $0x0  }
0x8e: {  	[sflag:s23] =	ssyncadd.s32 $0xFFFFD800  }
.LBB2_1:
0x8f: {  	s23 =	simm.s32 $0x0;
	s24 =	simm.s32 $0x200  }
.LBB2_2:
0x90: {  	p1 =	sne.s32 s24, $0x9E00;
	[tilespmem:s23+$0x470] =	vst v0  }
0x91: {  	[tilespmem:s23+$0x400] =	vst v0  }
0x92: {  	[tilespmem:s23+$0x410] =	vst v0  }
.Ltmp2:
0x93: {  	[tilespmem:s23+$0x420] =	vst v0;
	(pc) =	sbr.rel @p1 .LBB2_2-.Ltmp2, $4  }
0x94: {  	[tilespmem:s23+$0x430] =	vst v0  }
0x95: {  	[tilespmem:s23+$0x440] =	vst v0  }
0x96: {  	[tilespmem:s23+$0x450] =	vst v0  }
0x97: {  	[tilespmem:s23+$0x460] =	vst v0;
	s23 =	sshra.s32 s24, $0x2;
	s24 =	sadd.s32 $0x200, s24  }
0x98: {  	[tilespmem:s23+$0x470] =	vst v0  }
0x99: {  	[tilespmem:s23+$0x400] =	vst v0  }
0x9a: {  	[tilespmem:s23+$0x410] =	vst v0  }
0x9b: {  	[tilespmem:s23+$0x420] =	vst v0  }
0x9c: {  	[tilespmem:s23+$0x430] =	vst v0  }
0x9d: {  	[tilespmem:s23+$0x440] =	vst v0  }
0x9e: {  	[tilespmem:s23+$0x450] =	vst v0  }
0x9f: {  	[tilespmem:s23+$0x460] =	vst v0  }
0xa0: {  	[spmem:s6] =	stream.linear.scatter [tilespmem:s0], [sflag:$0x4], $0x2800, $0x38;
	[tilespmem:$0x1E400] =	vst v63  }
0xa1: {  	_ =	swait.ge [sflag:s1], $0x2800  }
0xa2: {  	[sflag:s1] =	ssyncset.done $0x0  }
0xa3: {  	s28 =	rddreg [dreg:$0xb];
	[sflag:s1] =	ssyncadd.s32 $0xFFFFD800  }
0xa4: {  	[spmem:s28] =	stream.linear.scatter [tilespmem:s0], [sflag:$0x4], $0x2800, $0x38;
	[tilespmem:$0x1E400] =	vst v63  }
0xa5: {  	_ =	swait.ge [sflag:s1], $0x2800  }
0xa6: {  	[sflag:s1] =	ssyncset.done $0x0  }
0xa7: {  	s24 =	rddreg [dreg:$0xc];
	[sflag:s1] =	ssyncadd.s32 $0xFFFFD800  }
0xa8: {  	[spmem:s24] =	stream.linear.scatter [tilespmem:s0], [sflag:$0x4], $0x2800, $0x38;
	[tilespmem:$0x1E400] =	vst v63  }
0xa9: {  	_ =	swait.ge [sflag:s1], $0x2800  }
0xaa: {  	[sflag:s1] =	ssyncset.done $0x0  }
0xab: {  	s26 =	rddreg [dreg:$0x14];
	[sflag:s1] =	ssyncadd.s32 $0xFFFFD800  }
0xac: {  	[spmem:s26] =	stream.linear.scatter [tilespmem:s0], [sflag:$0x4], $0x2800, $0x38;
	[tilespmem:$0x1E400] =	vst v63  }
0xad: {  	_ =	swait.ge [sflag:s1], $0x2800  }
0xae: {  	[sflag:s1] =	ssyncset.done $0x0  }
0xaf: {  	s28 =	rddreg [dreg:$0x15];
	[sflag:s1] =	ssyncadd.s32 $0xFFFFD800  }
0xb0: {  	[spmem:s28] =	stream.linear.scatter [tilespmem:s0], [sflag:$0x4], $0x2800, $0x38;
	[tilespmem:$0x1E400] =	vst v63  }
0xb1: {  	_ =	swait.ge [sflag:s1], $0x2800  }
0xb2: {  	[sflag:s1] =	ssyncset.done $0x0  }
0xb3: {  	s24 =	rddreg [dreg:$0x16];
	[sflag:s1] =	ssyncadd.s32 $0xFFFFD800  }
0xb4: {  	[spmem:s24] =	stream.linear.scatter [tilespmem:s0], [sflag:$0x4], $0x2800, $0x38;
	[tilespmem:$0x1E400] =	vst v63  }
0xb5: {  	_ =	swait.ge [sflag:s1], $0x2800  }
0xb6: {  	[sflag:s1] =	ssyncset.done $0x0  }
0xb7: {  	s26 =	rddreg [dreg:$0x17];
	[sflag:s1] =	ssyncadd.s32 $0xFFFFD800  }
0xb8: {  	[spmem:s26] =	stream.linear.scatter [tilespmem:s0], [sflag:$0x4], $0x2800, $0x38;
	[tilespmem:$0x1E400] =	vst v63  }
0xb9: {  	_ =	swait.ge [sflag:s1], $0x2800  }
0xba: {  	[sflag:s1] =	ssyncset.done $0x0  }
.Ltmp3:
0xbb: {  	s28 =	rddreg [dreg:$0x18];
	[sflag:s1] =	ssyncadd.s32 $0xFFFFD800;
	(pc) =	sbr.rel @!p0 .LBB2_4-.Ltmp3, $4  }
0xbc: {  	[spmem:s28] =	stream.linear.scatter [tilespmem:s0], [sflag:$0x4], $0x2800, $0x38;
	[tilespmem:$0x1E400] =	vst v63  }
0xbd: {  	_ =	swait.ge [sflag:s1], $0x2800  }
0xbe: {  	[sflag:s1] =	ssyncset.done $0x0  }
0xbf: {  	s24 =	simm.s32 $0x0;
	[sflag:s1] =	ssyncadd.s32 $0xFFFFD800  }
0xc0: {  	[bflag:$0x0] =	sbarrier.arrive $0xFFFF;
	s23 =	sadd.s32 $0x0, s16  }
0xc1: {  	[tilespmem:s3], [sflag:$0x1] =	stream.linear.gather [hbm4b:s23+s3], $0x50, $0x38;
	[tilespmem:$0x1E400] =	vst v63  }
0xc2: {  	s24 =	sadd.s32 $0x0, s25  }
0xc3: {  	[tilespmem:s5], [sflag:$0x1] =	stream.linear.gather [hbm4b:s24+s3], $0x50, $0x38;
	[tilespmem:$0x1E400] =	vst v63  }
0xc4: {  	s26 =	sadd.s32 $0xA, s23  }
0xc5: {  	[tilespmem:s7], [sflag:$0x1] =	stream.linear.gather [hbm4b:s26+s3], $0x50, $0x38;
	[tilespmem:$0x1E400] =	vst v63  }
0xc6: {  	s28 =	sadd.s32 $0xA, s24  }
0xc7: {  	[tilespmem:s8], [sflag:$0x1] =	stream.linear.gather [hbm4b:s28+s3], $0x50, $0x38;
	[tilespmem:$0x1E400] =	vst v63  }
0xc8: {  	s31 =	smov.u32 s30;
	s30 =	smov.u32 s29;
	s29 =	sadd.s32 $0x14, s23  }
0xc9: {  	[tilespmem:s9], [sflag:$0x1] =	stream.linear.gather [hbm4b:s29+s3], $0x50, $0x38;
	[tilespmem:$0x1E400] =	vst v63  }
0xca: {  	s28 =	sadd.s32 $0x14, s24  }
0xcb: {  	[tilespmem:s10], [sflag:$0x1] =	stream.linear.gather [hbm4b:s28+s3], $0x50, $0x38;
	[tilespmem:$0x1E400] =	vst v63  }
0xcc: {  	s23 =	sadd.s32 $0x1E, s23  }
0xcd: {  	[tilespmem:s11], [sflag:$0x1] =	stream.linear.gather [hbm4b:s23+s3], $0x50, $0x38;
	[tilespmem:$0x1E400] =	vst v63  }
0xce: {  	s29 =	sadd.s32 $0x1E, s24  }
0xcf: {  	[tilespmem:s12], [sflag:$0x1] =	stream.linear.gather [hbm4b:s29+s3], $0x50, $0x38;
	[tilespmem:$0x1E400] =	vst v63  }
0xd0: {  	_ =	swait.ge [sflag:s13], $0x50  }
0xd1: {  	[sflag:s13] =	ssyncset.done $0x0  }
0xd2: {  	[sflag:s13] =	ssyncadd.s32 $0xFFFFFFB0  }
0xd3: {  	_ =	swait.ge [sflag:s13], $0x50  }
0xd4: {  	[sflag:s13] =	ssyncset.done $0x0  }
0xd5: {  	[sflag:s13] =	ssyncadd.s32 $0xFFFFFFB0  }
0xd6: {  	_ =	swait.ge [sflag:s13], $0x50  }
0xd7: {  	[sflag:s13] =	ssyncset.done $0x0  }
0xd8: {  	[sflag:s13] =	ssyncadd.s32 $0xFFFFFFB0  }
0xd9: {  	_ =	swait.ge [sflag:s13], $0x50  }
0xda: {  	[sflag:s13] =	ssyncset.done $0x0  }
0xdb: {  	[sflag:s13] =	ssyncadd.s32 $0xFFFFFFB0  }
0xdc: {  	_ =	swait.ge [sflag:s13], $0x50  }
0xdd: {  	[sflag:s13] =	ssyncset.done $0x0  }
0xde: {  	[sflag:s13] =	ssyncadd.s32 $0xFFFFFFB0  }
0xdf: {  	_ =	swait.ge [sflag:s13], $0x50  }
0xe0: {  	[sflag:s13] =	ssyncset.done $0x0  }
0xe1: {  	[sflag:s13] =	ssyncadd.s32 $0xFFFFFFB0  }
0xe2: {  	_ =	swait.ge [sflag:s13], $0x50  }
0xe3: {  	[sflag:s13] =	ssyncset.done $0x0  }
0xe4: {  	[sflag:s13] =	ssyncadd.s32 $0xFFFFFFB0  }
0xe5: {  	_ =	swait.ge [sflag:s13], $0x50  }
0xe6: {  	[sflag:s13] =	ssyncset.done $0x0  }
0xe7: {  	[sflag:s13] =	ssyncadd.s32 $0xFFFFFFB0  }
0xe8: {  	[tilespmem:s0], [sflag:$0x2] =	stream.indirect.gather [hbm4b:s4+s14], $0x80, s3, s14, $0xb8;
	[tilespmem:$0x1E400] =	vst v63  }
0xe9: {  	_ = 	snop  }
0xea: {  	[tilespmem:s15], [sflag:$0x2] =	stream.indirect.gather [hbm4b:s4+s14], $0x80, s7, s14, $0xb8;
	[tilespmem:$0x1E400] =	vst v63  }
0xeb: {  	_ = 	snop  }
0xec: {  	[tilespmem:s17], [sflag:$0x2] =	stream.indirect.gather [hbm4b:s4+s14], $0x80, s9, s14, $0xb8;
	[tilespmem:$0x1E400] =	vst v63  }
0xed: {  	_ = 	snop  }
0xee: {  	[tilespmem:s18], [sflag:$0x2] =	stream.indirect.gather [hbm4b:s4+s14], $0x80, s11, s14, $0xb8;
	[tilespmem:$0x1E400] =	vst v63  }
0xef: {  	_ =	swait.ge [sflag:s19], $0x2800  }
0xf0: {  	[sflag:s19] =	ssyncset.done $0x0  }
0xf1: {  	[sflag:s19] =	ssyncadd.s32 $0xFFFFD800  }
0xf2: {  	_ =	swait.ge [sflag:s19], $0x2800  }
0xf3: {  	[sflag:s19] =	ssyncset.done $0x0  }
0xf4: {  	[sflag:s19] =	ssyncadd.s32 $0xFFFFD800  }
0xf5: {  	_ =	swait.ge [sflag:s19], $0x2800  }
0xf6: {  	[sflag:s19] =	ssyncset.done $0x0  }
0xf7: {  	[sflag:s19] =	ssyncadd.s32 $0xFFFFD800  }
0xf8: {  	_ =	swait.ge [sflag:s19], $0x2800  }
0xf9: {  	[sflag:s19] =	ssyncset.done $0x0  }
0xfa: {  	[sflag:s19] =	ssyncadd.s32 $0xFFFFD800  }
0xfb: {  	[spmem:s2] =	stream.indirect.scatter.add.f32 [tilespmem:s0], [sflag:$0x3], $0x80, s5, s14, $0xb8;
	[tilespmem:$0x1E400] =	vst v63  }
0xfc: {  	_ = 	snop  }
0xfd: {  	[spmem:s2] =	stream.indirect.scatter.add.f32 [tilespmem:s15], [sflag:$0x3], $0x80, s8, s14, $0xb8;
	[tilespmem:$0x1E400] =	vst v63  }
0xfe: {  	_ = 	snop  }
0xff: {  	[spmem:s2] =	stream.indirect.scatter.add.f32 [tilespmem:s17], [sflag:$0x3], $0x80, s10, s14, $0xb8;
	[tilespmem:$0x1E400] =	vst v63  }
0x100: {  	_ = 	snop  }
0x101: {  	[spmem:s2] =	stream.indirect.scatter.add.f32 [tilespmem:s18], [sflag:$0x3], $0x80, s12, s14, $0xb8;
	[tilespmem:$0x1E400] =	vst v63  }
0x102: {  	_ =	swait.ge [sflag:s20], $0x2800  }
0x103: {  	[sflag:s20] =	ssyncset.done $0x0  }
0x104: {  	[sflag:s20] =	ssyncadd.s32 $0xFFFFD800  }
0x105: {  	_ =	swait.ge [sflag:s20], $0x2800  }
0x106: {  	[sflag:s20] =	ssyncset.done $0x0  }
0x107: {  	[sflag:s20] =	ssyncadd.s32 $0xFFFFD800  }
0x108: {  	_ =	swait.ge [sflag:s20], $0x2800  }
0x109: {  	[sflag:s20] =	ssyncset.done $0x0  }
0x10a: {  	[sflag:s20] =	ssyncadd.s32 $0xFFFFD800  }
0x10b: {  	_ =	swait.ge [sflag:s20], $0x2800  }
0x10c: {  	s24 =	simm.s32 $0x50;
	s23 =	simm.s32 $0x28;
	[sflag:s20] =	ssyncset.done $0x0  }
.LBB2_10:
0x10d: {  	s28 =	sadd.s32 s23, s16  }
0x10e: {  	[sflag:s20] =	ssyncadd.s32 $0xFFFFD800;
	s29 =	smov.u32 s24;
	s26 =	sadd.s32 $0x28, s24  }
0x10f: {  	[tilespmem:s3], [sflag:$0x1] =	stream.linear.gather [hbm4b:s28+s3], $0x50, $0x38;
	[tilespmem:$0x1E400] =	vst v63  }
0x110: {  	p1 =	seq.s32 s24, $0x9B0;
	s24 =	sadd.s32 s23, s25;
	s23 =	smov.u32 s29  }
0x111: {  	[tilespmem:s5], [sflag:$0x1] =	stream.linear.gather [hbm4b:s24+s3], $0x50, $0x38;
	[tilespmem:$0x1E400] =	vst v63  }
0x112: {  	s29 =	sadd.s32 $0xA, s28  }
0x113: {  	[tilespmem:s7], [sflag:$0x1] =	stream.linear.gather [hbm4b:s29+s3], $0x50, $0x38;
	[tilespmem:$0x1E400] =	vst v63  }
0x114: {  	s29 =	sadd.s32 $0xA, s24  }
0x115: {  	[tilespmem:s8], [sflag:$0x1] =	stream.linear.gather [hbm4b:s29+s3], $0x50, $0x38;
	[tilespmem:$0x1E400] =	vst v63  }
0x116: {  	s29 =	sadd.s32 $0x14, s28  }
0x117: {  	[tilespmem:s9], [sflag:$0x1] =	stream.linear.gather [hbm4b:s29+s3], $0x50, $0x38;
	[tilespmem:$0x1E400] =	vst v63  }
0x118: {  	s29 =	sadd.s32 $0x14, s24  }
0x119: {  	[tilespmem:s10], [sflag:$0x1] =	stream.linear.gather [hbm4b:s29+s3], $0x50, $0x38;
	[tilespmem:$0x1E400] =	vst v63  }
0x11a: {  	s28 =	sadd.s32 $0x1E, s28  }
0x11b: {  	[tilespmem:s11], [sflag:$0x1] =	stream.linear.gather [hbm4b:s28+s3], $0x50, $0x38;
	[tilespmem:$0x1E400] =	vst v63  }
0x11c: {  	s24 =	sadd.s32 $0x1E, s24  }
0x11d: {  	[tilespmem:s12], [sflag:$0x1] =	stream.linear.gather [hbm4b:s24+s3], $0x50, $0x38;
	[tilespmem:$0x1E400] =	vst v63  }
0x11e: {  	_ =	swait.ge [sflag:s13], $0x50  }
0x11f: {  	[sflag:s13] =	ssyncset.done $0x0  }
0x120: {  	[sflag:s13] =	ssyncadd.s32 $0xFFFFFFB0  }
0x121: {  	_ =	swait.ge [sflag:s13], $0x50  }
0x122: {  	[sflag:s13] =	ssyncset.done $0x0  }
0x123: {  	[sflag:s13] =	ssyncadd.s32 $0xFFFFFFB0  }
0x124: {  	_ =	swait.ge [sflag:s13], $0x50  }
0x125: {  	[sflag:s13] =	ssyncset.done $0x0  }
0x126: {  	[sflag:s13] =	ssyncadd.s32 $0xFFFFFFB0  }
0x127: {  	_ =	swait.ge [sflag:s13], $0x50  }
0x128: {  	[sflag:s13] =	ssyncset.done $0x0  }
0x129: {  	[sflag:s13] =	ssyncadd.s32 $0xFFFFFFB0  }
0x12a: {  	_ =	swait.ge [sflag:s13], $0x50  }
0x12b: {  	[sflag:s13] =	ssyncset.done $0x0  }
0x12c: {  	[sflag:s13] =	ssyncadd.s32 $0xFFFFFFB0  }
0x12d: {  	_ =	swait.ge [sflag:s13], $0x50  }
0x12e: {  	[sflag:s13] =	ssyncset.done $0x0  }
0x12f: {  	[sflag:s13] =	ssyncadd.s32 $0xFFFFFFB0  }
0x130: {  	_ =	swait.ge [sflag:s13], $0x50  }
0x131: {  	[sflag:s13] =	ssyncset.done $0x0  }
0x132: {  	[sflag:s13] =	ssyncadd.s32 $0xFFFFFFB0  }
0x133: {  	_ =	swait.ge [sflag:s13], $0x50  }
0x134: {  	[sflag:s13] =	ssyncset.done $0x0  }
0x135: {  	[sflag:s13] =	ssyncadd.s32 $0xFFFFFFB0  }
0x136: {  	[tilespmem:s0], [sflag:$0x2] =	stream.indirect.gather [hbm4b:s4+s14], $0x80, s3, s14, $0xb8;
	[tilespmem:$0x1E400] =	vst v63  }
0x137: {  	_ = 	snop  }
0x138: {  	[tilespmem:s15], [sflag:$0x2] =	stream.indirect.gather [hbm4b:s4+s14], $0x80, s7, s14, $0xb8;
	[tilespmem:$0x1E400] =	vst v63  }
0x139: {  	_ = 	snop  }
0x13a: {  	[tilespmem:s17], [sflag:$0x2] =	stream.indirect.gather [hbm4b:s4+s14], $0x80, s9, s14, $0xb8;
	[tilespmem:$0x1E400] =	vst v63  }
0x13b: {  	_ = 	snop  }
0x13c: {  	[tilespmem:s18], [sflag:$0x2] =	stream.indirect.gather [hbm4b:s4+s14], $0x80, s11, s14, $0xb8;
	[tilespmem:$0x1E400] =	vst v63  }
0x13d: {  	_ =	swait.ge [sflag:s19], $0x2800  }
0x13e: {  	[sflag:s19] =	ssyncset.done $0x0  }
0x13f: {  	[sflag:s19] =	ssyncadd.s32 $0xFFFFD800  }
0x140: {  	_ =	swait.ge [sflag:s19], $0x2800  }
0x141: {  	[sflag:s19] =	ssyncset.done $0x0  }
0x142: {  	[sflag:s19] =	ssyncadd.s32 $0xFFFFD800  }
0x143: {  	_ =	swait.ge [sflag:s19], $0x2800  }
0x144: {  	[sflag:s19] =	ssyncset.done $0x0  }
0x145: {  	[sflag:s19] =	ssyncadd.s32 $0xFFFFD800  }
0x146: {  	_ =	swait.ge [sflag:s19], $0x2800  }
0x147: {  	[sflag:s19] =	ssyncset.done $0x0  }
0x148: {  	[sflag:s19] =	ssyncadd.s32 $0xFFFFD800  }
0x149: {  	[spmem:s2] =	stream.indirect.scatter.add.f32 [tilespmem:s0], [sflag:$0x3], $0x80, s5, s14, $0xb8;
	[tilespmem:$0x1E400] =	vst v63  }
0x14a: {  	_ = 	snop  }
0x14b: {  	[spmem:s2] =	stream.indirect.scatter.add.f32 [tilespmem:s15], [sflag:$0x3], $0x80, s8, s14, $0xb8;
	[tilespmem:$0x1E400] =	vst v63  }
0x14c: {  	_ = 	snop  }
0x14d: {  	[spmem:s2] =	stream.indirect.scatter.add.f32 [tilespmem:s17], [sflag:$0x3], $0x80, s10, s14, $0xb8;
	[tilespmem:$0x1E400] =	vst v63  }
0x14e: {  	_ = 	snop  }
0x14f: {  	[spmem:s2] =	stream.indirect.scatter.add.f32 [tilespmem:s18], [sflag:$0x3], $0x80, s12, s14, $0xb8;
	[tilespmem:$0x1E400] =	vst v63  }
0x150: {  	_ =	swait.ge [sflag:s20], $0x2800  }
0x151: {  	[sflag:s20] =	ssyncset.done $0x0  }
0x152: {  	[sflag:s20] =	ssyncadd.s32 $0xFFFFD800  }
0x153: {  	_ =	swait.ge [sflag:s20], $0x2800  }
0x154: {  	[sflag:s20] =	ssyncset.done $0x0  }
0x155: {  	[sflag:s20] =	ssyncadd.s32 $0xFFFFD800  }
.Ltmp4:
0x156: {  	_ =	swait.ge [sflag:s20], $0x2800;
	(pc) =	sbr.rel @!p1 .LBB2_10-.Ltmp4, $4  }
0x157: {  	[sflag:s20] =	ssyncset.done $0x0  }
0x158: {  	[sflag:s20] =	ssyncadd.s32 $0xFFFFD800  }
0x159: {  	_ =	swait.ge [sflag:s20], $0x2800  }
0x15a: {  	s24 =	smov.u32 s26;
	[sflag:s20] =	ssyncset.done $0x0  }
0x15b: {  	s24 =	sadd.s32 s23, s16;
	[sflag:s20] =	ssyncadd.s32 $0xFFFFD800  }
0x15c: {  	[tilespmem:s3], [sflag:$0x1] =	stream.linear.gather [hbm4b:s24+s3], $0x50, $0x38;
	[tilespmem:$0x1E400] =	vst v63  }
0x15d: {  	s23 =	sadd.s32 s23, s25  }
0x15e: {  	[tilespmem:s5], [sflag:$0x1] =	stream.linear.gather [hbm4b:s23+s3], $0x50, $0x38;
	[tilespmem:$0x1E400] =	vst v63  }
0x15f: {  	s26 =	sadd.s32 $0xA, s24  }
0x160: {  	[tilespmem:s7], [sflag:$0x1] =	stream.linear.gather [hbm4b:s26+s3], $0x50, $0x38;
	[tilespmem:$0x1E400] =	vst v63  }
0x161: {  	s28 =	sadd.s32 $0xA, s23  }
0x162: {  	[tilespmem:s8], [sflag:$0x1] =	stream.linear.gather [hbm4b:s28+s3], $0x50, $0x38;
	[tilespmem:$0x1E400] =	vst v63  }
0x163: {  	s28 =	sadd.s32 $0x14, s24  }
0x164: {  	[tilespmem:s9], [sflag:$0x1] =	stream.linear.gather [hbm4b:s28+s3], $0x50, $0x38;
	[tilespmem:$0x1E400] =	vst v63  }
0x165: {  	s28 =	sadd.s32 $0x14, s23  }
0x166: {  	[tilespmem:s10], [sflag:$0x1] =	stream.linear.gather [hbm4b:s28+s3], $0x50, $0x38;
	[tilespmem:$0x1E400] =	vst v63  }
0x167: {  	s24 =	sadd.s32 $0x1E, s24  }
0x168: {  	[tilespmem:s11], [sflag:$0x1] =	stream.linear.gather [hbm4b:s24+s3], $0x50, $0x38;
	[tilespmem:$0x1E400] =	vst v63  }
0x169: {  	s23 =	sadd.s32 $0x1E, s23  }
0x16a: {  	[tilespmem:s12], [sflag:$0x1] =	stream.linear.gather [hbm4b:s23+s3], $0x50, $0x38;
	[tilespmem:$0x1E400] =	vst v63  }
0x16b: {  	_ =	swait.ge [sflag:s13], $0x50  }
0x16c: {  	[sflag:s13] =	ssyncset.done $0x0  }
0x16d: {  	[sflag:s13] =	ssyncadd.s32 $0xFFFFFFB0  }
0x16e: {  	_ =	swait.ge [sflag:s13], $0x50  }
0x16f: {  	[sflag:s13] =	ssyncset.done $0x0  }
0x170: {  	[sflag:s13] =	ssyncadd.s32 $0xFFFFFFB0  }
0x171: {  	_ =	swait.ge [sflag:s13], $0x50  }
0x172: {  	[sflag:s13] =	ssyncset.done $0x0  }
0x173: {  	[sflag:s13] =	ssyncadd.s32 $0xFFFFFFB0  }
0x174: {  	_ =	swait.ge [sflag:s13], $0x50  }
0x175: {  	[sflag:s13] =	ssyncset.done $0x0  }
0x176: {  	[sflag:s13] =	ssyncadd.s32 $0xFFFFFFB0  }
0x177: {  	_ =	swait.ge [sflag:s13], $0x50  }
0x178: {  	[sflag:s13] =	ssyncset.done $0x0  }
0x179: {  	[sflag:s13] =	ssyncadd.s32 $0xFFFFFFB0  }
0x17a: {  	_ =	swait.ge [sflag:s13], $0x50  }
0x17b: {  	[sflag:s13] =	ssyncset.done $0x0  }
0x17c: {  	[sflag:s13] =	ssyncadd.s32 $0xFFFFFFB0  }
0x17d: {  	_ =	swait.ge [sflag:s13], $0x50  }
0x17e: {  	[sflag:s13] =	ssyncset.done $0x0  }
0x17f: {  	[sflag:s13] =	ssyncadd.s32 $0xFFFFFFB0  }
0x180: {  	_ =	swait.ge [sflag:s13], $0x50  }
0x181: {  	[sflag:s13] =	ssyncset.done $0x0  }
0x182: {  	[sflag:s13] =	ssyncadd.s32 $0xFFFFFFB0  }
0x183: {  	[tilespmem:s0], [sflag:$0x2] =	stream.indirect.gather [hbm4b:s4+s14], $0x80, s3, s14, $0xb8;
	[tilespmem:$0x1E400] =	vst v63  }
0x184: {  	_ = 	snop  }
0x185: {  	[tilespmem:s15], [sflag:$0x2] =	stream.indirect.gather [hbm4b:s4+s14], $0x80, s7, s14, $0xb8;
	[tilespmem:$0x1E400] =	vst v63  }
0x186: {  	_ = 	snop  }
0x187: {  	[tilespmem:s17], [sflag:$0x2] =	stream.indirect.gather [hbm4b:s4+s14], $0x80, s9, s14, $0xb8;
	[tilespmem:$0x1E400] =	vst v63  }
0x188: {  	_ = 	snop  }
0x189: {  	[tilespmem:s18], [sflag:$0x2] =	stream.indirect.gather [hbm4b:s4+s14], $0x80, s11, s14, $0xb8;
	[tilespmem:$0x1E400] =	vst v63  }
0x18a: {  	_ =	swait.ge [sflag:s19], $0x2800  }
0x18b: {  	[sflag:s19] =	ssyncset.done $0x0  }
0x18c: {  	[sflag:s19] =	ssyncadd.s32 $0xFFFFD800  }
0x18d: {  	_ =	swait.ge [sflag:s19], $0x2800  }
0x18e: {  	[sflag:s19] =	ssyncset.done $0x0  }
0x18f: {  	[sflag:s19] =	ssyncadd.s32 $0xFFFFD800  }
0x190: {  	_ =	swait.ge [sflag:s19], $0x2800  }
0x191: {  	[sflag:s19] =	ssyncset.done $0x0  }
0x192: {  	[sflag:s19] =	ssyncadd.s32 $0xFFFFD800  }
0x193: {  	_ =	swait.ge [sflag:s19], $0x2800  }
0x194: {  	[sflag:s19] =	ssyncset.done $0x0  }
0x195: {  	[sflag:s19] =	ssyncadd.s32 $0xFFFFD800  }
0x196: {  	[spmem:s2] =	stream.indirect.scatter.add.f32 [tilespmem:s0], [sflag:$0x3], $0x80, s5, s14, $0xb8;
	[tilespmem:$0x1E400] =	vst v63  }
0x197: {  	_ = 	snop  }
0x198: {  	[spmem:s2] =	stream.indirect.scatter.add.f32 [tilespmem:s15], [sflag:$0x3], $0x80, s8, s14, $0xb8;
	[tilespmem:$0x1E400] =	vst v63  }
0x199: {  	_ = 	snop  }
0x19a: {  	[spmem:s2] =	stream.indirect.scatter.add.f32 [tilespmem:s17], [sflag:$0x3], $0x80, s10, s14, $0xb8;
	[tilespmem:$0x1E400] =	vst v63  }
0x19b: {  	_ = 	snop  }
0x19c: {  	[spmem:s2] =	stream.indirect.scatter.add.f32 [tilespmem:s18], [sflag:$0x3], $0x80, s12, s14, $0xb8;
	[tilespmem:$0x1E400] =	vst v63  }
0x19d: {  	_ =	swait.ge [sflag:s20], $0x2800  }
0x19e: {  	[sflag:s20] =	ssyncset.done $0x0  }
0x19f: {  	[sflag:s20] =	ssyncadd.s32 $0xFFFFD800  }
0x1a0: {  	_ =	swait.ge [sflag:s20], $0x2800  }
0x1a1: {  	[sflag:s20] =	ssyncset.done $0x0  }
0x1a2: {  	[sflag:s20] =	ssyncadd.s32 $0xFFFFD800  }
0x1a3: {  	_ =	swait.ge [sflag:s20], $0x2800  }
.Ltmp5:
0x1a4: {  	[sflag:s20] =	ssyncset.done $0x0;
	(pc) =	sbr.rel .LBB2_12-.Ltmp5, $4  }
0x1a5: {  	[sflag:s20] =	ssyncadd.s32 $0xFFFFD800  }
0x1a6: {  	_ =	swait.ge [sflag:s20], $0x2800  }
0x1a7: {  	s29 =	smov.u32 s30;
	[sflag:s20] =	ssyncset.done $0x0  }
0x1a8: {  	s30 =	smov.u32 s31;
	s31 =	rddreg [dreg:$0x4];
	[sflag:s20] =	ssyncadd.s32 $0xFFFFD800  }
.LBB2_4:
0x1a9: {  	s23 =	sshra.s32 s24, $0x2;
	s24 =	sadd.s32 $0x200, s24  }
.LBB2_5:
0x1aa: {  	p1 =	sne.s32 s24, $0x9E00;
	[tilespmem:s23+$0x470] =	vst v1  }
0x1ab: {  	[tilespmem:s23+$0x400] =	vst v1  }
0x1ac: {  	[tilespmem:s23+$0x410] =	vst v1  }
.Ltmp6:
0x1ad: {  	[tilespmem:s23+$0x420] =	vst v1;
	(pc) =	sbr.rel @p1 .LBB2_5-.Ltmp6, $4  }
0x1ae: {  	[tilespmem:s23+$0x430] =	vst v1  }
0x1af: {  	[tilespmem:s23+$0x440] =	vst v1  }
0x1b0: {  	[tilespmem:s23+$0x450] =	vst v1  }
0x1b1: {  	[tilespmem:s23+$0x460] =	vst v1;
	s23 =	sshra.s32 s24, $0x2;
	s24 =	sadd.s32 $0x200, s24  }
0x1b2: {  	[tilespmem:s23+$0x470] =	vst v1  }
0x1b3: {  	[tilespmem:s23+$0x400] =	vst v1  }
0x1b4: {  	[tilespmem:s23+$0x410] =	vst v1  }
0x1b5: {  	[tilespmem:s23+$0x420] =	vst v1  }
0x1b6: {  	[tilespmem:s23+$0x430] =	vst v1  }
0x1b7: {  	[tilespmem:s23+$0x440] =	vst v1  }
0x1b8: {  	[tilespmem:s23+$0x450] =	vst v1  }
0x1b9: {  	[tilespmem:s23+$0x460] =	vst v1  }
0x1ba: {  	s26 =	sadd.s32 $0x0, s25;
	[bflag:$0x0] =	sbarrier.arrive $0xFFFF  }
0x1bb: {  	[tilespmem:s5], [sflag:$0x1] =	stream.linear.gather [hbm4b:s26+s3], $0x50, $0x38;
	[tilespmem:$0x1E400] =	vst v63  }
0x1bc: {  	s24 =	sadd.s32 $0xA, s26  }
0x1bd: {  	[tilespmem:s8], [sflag:$0x1] =	stream.linear.gather [hbm4b:s24+s3], $0x50, $0x38;
	[tilespmem:$0x1E400] =	vst v63  }
0x1be: {  	s28 =	sadd.s32 $0x14, s26  }
0x1bf: {  	[tilespmem:s10], [sflag:$0x1] =	stream.linear.gather [hbm4b:s28+s3], $0x50, $0x38;
	[tilespmem:$0x1E400] =	vst v63  }
0x1c0: {  	s23 =	sadd.s32 $0x1E, s26  }
0x1c1: {  	[tilespmem:s12], [sflag:$0x1] =	stream.linear.gather [hbm4b:s23+s3], $0x50, $0x38;
	[tilespmem:$0x1E400] =	vst v63  }
0x1c2: {  	_ =	swait.ge [sflag:s13], $0x50  }
0x1c3: {  	[sflag:s13] =	ssyncset.done $0x0  }
0x1c4: {  	[sflag:s13] =	ssyncadd.s32 $0xFFFFFFB0  }
0x1c5: {  	_ =	swait.ge [sflag:s13], $0x50  }
0x1c6: {  	[sflag:s13] =	ssyncset.done $0x0  }
0x1c7: {  	[sflag:s13] =	ssyncadd.s32 $0xFFFFFFB0  }
0x1c8: {  	_ =	swait.ge [sflag:s13], $0x50  }
0x1c9: {  	[sflag:s13] =	ssyncset.done $0x0  }
0x1ca: {  	[sflag:s13] =	ssyncadd.s32 $0xFFFFFFB0  }
0x1cb: {  	_ =	swait.ge [sflag:s13], $0x50  }
0x1cc: {  	[sflag:s13] =	ssyncset.done $0x0  }
0x1cd: {  	[sflag:s13] =	ssyncadd.s32 $0xFFFFFFB0  }
0x1ce: {  	[spmem:s2] =	stream.indirect.scatter.add.f32 [tilespmem:s0], [sflag:$0x3], $0x80, s5, s14, $0xb8;
	[tilespmem:$0x1E400] =	vst v63  }
0x1cf: {  	_ = 	snop  }
0x1d0: {  	[spmem:s2] =	stream.indirect.scatter.add.f32 [tilespmem:s0], [sflag:$0x3], $0x80, s8, s14, $0xb8;
	[tilespmem:$0x1E400] =	vst v63  }
0x1d1: {  	_ = 	snop  }
0x1d2: {  	[spmem:s2] =	stream.indirect.scatter.add.f32 [tilespmem:s0], [sflag:$0x3], $0x80, s10, s14, $0xb8;
	[tilespmem:$0x1E400] =	vst v63  }
0x1d3: {  	_ = 	snop  }
0x1d4: {  	[spmem:s2] =	stream.indirect.scatter.add.f32 [tilespmem:s0], [sflag:$0x3], $0x80, s12, s14, $0xb8;
	[tilespmem:$0x1E400] =	vst v63  }
0x1d5: {  	_ =	swait.ge [sflag:s20], $0x2800  }
0x1d6: {  	[sflag:s20] =	ssyncset.done $0x0  }
0x1d7: {  	[sflag:s20] =	ssyncadd.s32 $0xFFFFD800  }
0x1d8: {  	_ =	swait.ge [sflag:s20], $0x2800  }
0x1d9: {  	[sflag:s20] =	ssyncset.done $0x0  }
0x1da: {  	[sflag:s20] =	ssyncadd.s32 $0xFFFFD800  }
0x1db: {  	_ =	swait.ge [sflag:s20], $0x2800  }
0x1dc: {  	[sflag:s20] =	ssyncset.done $0x0  }
0x1dd: {  	[sflag:s20] =	ssyncadd.s32 $0xFFFFD800  }
0x1de: {  	_ =	swait.ge [sflag:s20], $0x2800  }
0x1df: {  	s26 =	simm.s32 $0x50;
	s23 =	simm.s32 $0x28;
	[sflag:s20] =	ssyncset.done $0x0  }
.LBB2_7:
0x1e0: {  	s28 =	sadd.s32 s23, s25  }
0x1e1: {  	[sflag:s20] =	ssyncadd.s32 $0xFFFFD800;
	s23 =	smov.u32 s26;
	s24 =	sadd.s32 $0x28, s26  }
0x1e2: {  	[tilespmem:s5], [sflag:$0x1] =	stream.linear.gather [hbm4b:s28+s3], $0x50, $0x38;
	[tilespmem:$0x1E400] =	vst v63  }
0x1e3: {  	p1 =	sne.s32 s26, $0x9B0;
	s26 =	sadd.s32 $0xA, s28  }
0x1e4: {  	[tilespmem:s8], [sflag:$0x1] =	stream.linear.gather [hbm4b:s26+s3], $0x50, $0x38;
	[tilespmem:$0x1E400] =	vst v63  }
0x1e5: {  	s26 =	sadd.s32 $0x14, s28  }
0x1e6: {  	[tilespmem:s10], [sflag:$0x1] =	stream.linear.gather [hbm4b:s26+s3], $0x50, $0x38;
	[tilespmem:$0x1E400] =	vst v63  }
0x1e7: {  	s26 =	sadd.s32 $0x1E, s28  }
0x1e8: {  	[tilespmem:s12], [sflag:$0x1] =	stream.linear.gather [hbm4b:s26+s3], $0x50, $0x38;
	[tilespmem:$0x1E400] =	vst v63  }
0x1e9: {  	_ =	swait.ge [sflag:s13], $0x50  }
0x1ea: {  	[sflag:s13] =	ssyncset.done $0x0  }
0x1eb: {  	[sflag:s13] =	ssyncadd.s32 $0xFFFFFFB0  }
0x1ec: {  	_ =	swait.ge [sflag:s13], $0x50  }
0x1ed: {  	[sflag:s13] =	ssyncset.done $0x0  }
0x1ee: {  	[sflag:s13] =	ssyncadd.s32 $0xFFFFFFB0  }
0x1ef: {  	_ =	swait.ge [sflag:s13], $0x50  }
0x1f0: {  	[sflag:s13] =	ssyncset.done $0x0  }
0x1f1: {  	[sflag:s13] =	ssyncadd.s32 $0xFFFFFFB0  }
0x1f2: {  	_ =	swait.ge [sflag:s13], $0x50  }
0x1f3: {  	[sflag:s13] =	ssyncset.done $0x0  }
0x1f4: {  	[sflag:s13] =	ssyncadd.s32 $0xFFFFFFB0  }
0x1f5: {  	[spmem:s2] =	stream.indirect.scatter.add.f32 [tilespmem:s0], [sflag:$0x3], $0x80, s5, s14, $0xb8;
	[tilespmem:$0x1E400] =	vst v63  }
0x1f6: {  	_ = 	snop  }
0x1f7: {  	[spmem:s2] =	stream.indirect.scatter.add.f32 [tilespmem:s0], [sflag:$0x3], $0x80, s8, s14, $0xb8;
	[tilespmem:$0x1E400] =	vst v63  }
0x1f8: {  	_ = 	snop  }
0x1f9: {  	[spmem:s2] =	stream.indirect.scatter.add.f32 [tilespmem:s0], [sflag:$0x3], $0x80, s10, s14, $0xb8;
	[tilespmem:$0x1E400] =	vst v63  }
0x1fa: {  	_ = 	snop  }
0x1fb: {  	[spmem:s2] =	stream.indirect.scatter.add.f32 [tilespmem:s0], [sflag:$0x3], $0x80, s12, s14, $0xb8;
	[tilespmem:$0x1E400] =	vst v63  }
0x1fc: {  	_ =	swait.ge [sflag:s20], $0x2800  }
0x1fd: {  	[sflag:s20] =	ssyncset.done $0x0  }
0x1fe: {  	[sflag:s20] =	ssyncadd.s32 $0xFFFFD800  }
0x1ff: {  	_ =	swait.ge [sflag:s20], $0x2800  }
0x200: {  	[sflag:s20] =	ssyncset.done $0x0  }
0x201: {  	[sflag:s20] =	ssyncadd.s32 $0xFFFFD800  }
.Ltmp7:
0x202: {  	_ =	swait.ge [sflag:s20], $0x2800;
	(pc) =	sbr.rel @p1 .LBB2_7-.Ltmp7, $4  }
0x203: {  	[sflag:s20] =	ssyncset.done $0x0  }
0x204: {  	[sflag:s20] =	ssyncadd.s32 $0xFFFFD800  }
0x205: {  	_ =	swait.ge [sflag:s20], $0x2800  }
0x206: {  	s26 =	smov.u32 s24;
	[sflag:s20] =	ssyncset.done $0x0  }
.Ltmp8:
0x207: {  	_ = 	snop;
	(pc) =	sbr.rel .LBB2_8-.Ltmp8, $1  }
0x208: {  	_ =	sdelay $0x3  }
.LBB2_13:
0x209: {  	_ =	sfence.sel $0x180000  }
0x20a: {  	[bflag:$0x0] =	sbarrier.arrive $0xFFFF  }
0x20b: {  	_ =	strace $0x90000047  }
0x20c: {  	s0 =	stileid.u32;
	[bflag:$0x2] =	sbarrier.arrive $0xFFFF  }
0x20d: {  	p0 =	sne.s32 s0, $0x0;
	s0 =	rddreg [dreg:$0x3]  }
0x20e: {  	s0 =	sadd.s32 @!p0 $0x100000, s0  }
0x20f: {  	[sflag:s0] =	ssyncadd.tile.s32 @!p0 $0x1;
	_ =	shalt  }
.Lfunc_end2:
_tile_overlayer_lowered:
.L_overlay_start_2:
0x210: {  	(tag) =	ssettag $0x2  }
0x211: {  	s0 =	rddreg [dreg:$0x0];
	s2 =	stileid.u32  }
0x212: {  	s1 =	rddreg [dreg:$0x1];
	p0 =	sne.s32 s2, $0x0  }
0x213: {  	s3 =	rddreg [dreg:$0x2];
	[bflag:$0x3] =	sbarrier.arrive $0xFFFF;
	s2 =	simm.s32 @!p0 $0x1C04  }
0x214: {  	[timem:s3], [sflag:s2] =	dma.local @!p0 [hbm:s0], s1  }
0x215: {  	s0 =	simm.s32 @!p0 $0x4  }
0x216: {  	_ =	swait.ge @!p0 [sflag:s0], s1  }
0x217: {  	s1 =	ssub.s32 @!p0 $0x0, s1;
	[sflag:s0] =	ssyncset.done @!p0 $0x0  }
0x218: {  	[sflag:s0] =	ssyncadd.s32 @!p0 s1  }
0x219: {  	[bflag:$0x3] =	sbarrier.arrive $0xFFFF  }
0x21a: {  	_ =	shalt  }

</sc_bundles>
